<compile_context>
chip_gen: v7x
topology: tpu7x:2x2x1
jax: 0.10.2.dev20260603
libtpu: 0.0.44.dev20260713+nightly
codegen_flags: <defaults>
</compile_context>

<pallas_src>
import functools

import jax
import jax.numpy as jnp
from jax import lax
from jax.experimental import pallas as pl
from jax.experimental.pallas import tpu as pltpu
from jax.experimental.pallas import tpu_sc as plsc

NC = 2
NS = 16
NW = NC * NS
CHUNK = 128
GS = 16


def _make_seg_sum(n_pad, d, n_chunks, with_deg):
    mesh = plsc.VectorSubcoreMesh(core_axis_name="c", subcore_axis_name="s")
    rpt = n_pad // NS
    nbuf = 2
    g_depth = nbuf - 1

    out_type = [jax.ShapeDtypeStruct((NC, n_pad, d), jnp.float32)]
    if with_deg:
        out_type.append(jax.ShapeDtypeStruct((NC, n_pad, d), jnp.float32))

    scratch = [pltpu.VMEM((GS, CHUNK), jnp.int32)] * 4
    scratch += [pltpu.VMEM((CHUNK, d), jnp.float32)] * nbuf
    scratch.append(pltpu.VMEM_SHARED((n_pad, d), jnp.float32))
    scratch += [pltpu.SemaphoreType.DMA] * (nbuf + 2)

    @functools.partial(
        pl.kernel, mesh=mesh, out_type=tuple(out_type),
        scratch_types=tuple(scratch),
    )
    def seg(*refs):
        if with_deg:
            (table, srcp, dstp, z_d, ones_hbm, out_sum, out_deg,
             *rest) = refs
        else:
            (table, srcp, dstp, z_d, out_sum, *rest) = refs
        idxs = rest[0:2]
        idxd = rest[2:4]
        bufs = rest[4:4 + nbuf]
        acc = rest[4 + nbuf]
        gsem = rest[5 + nbuf:5 + 2 * nbuf]
        stg = rest[5 + 2 * nbuf:7 + 2 * nbuf]
        c = lax.axis_index("c")
        s = lax.axis_index("s")
        w = s * NC + c
        sl = pl.ds(s * rpt, rpt)

        def stage(g, pg, sem):
            pltpu.async_copy(srcp.at[w, pl.ds(g * GS, GS)], idxs[pg], sem)
            pltpu.async_copy(dstp.at[w, pl.ds(g * GS, GS)], idxd[pg], sem)

        def stage_wait(g, pg, sem):
            pltpu.make_async_copy(
                srcp.at[w, pl.ds(g * GS, GS)], idxs[pg], sem).wait()
            pltpu.make_async_copy(
                dstp.at[w, pl.ds(g * GS, GS)], idxd[pg], sem).wait()

        pltpu.sync_copy(z_d.at[pl.ds(0, rpt)], acc.at[sl])
        stage(0, 0, stg[0])
        stage_wait(0, 0, stg[0])
        plsc.subcore_barrier()

        for j in range(g_depth):
            pltpu.async_copy(table.at[idxs[0].at[j]], bufs[j], gsem[j])

        def body(j, carry):
            @pl.when(lax.rem(j, GS) == 0)
            def _stage_next():
                g = lax.div(j, GS)
                for pg in range(2):
                    @pl.when(lax.rem(g + 1, 2) == pg)
                    def _s():
                        @pl.when((g + 1) * GS < n_chunks)
                        def _go():
                            stage(g + 1, pg, stg[pg])

            @pl.when(lax.rem(j, GS) == GS - g_depth)
            def _wait_next():
                g = lax.div(j, GS)
                for pg in range(2):
                    @pl.when(lax.rem(g + 1, 2) == pg)
                    def _w():
                        @pl.when((g + 1) * GS < n_chunks)
                        def _done():
                            stage_wait(g + 1, pg, stg[pg])

            nxt = j + g_depth

            @pl.when(nxt < n_chunks)
            def _refill():
                rn = lax.rem(nxt, GS)
                for pg in range(2):
                    @pl.when(lax.rem(lax.div(nxt, GS), 2) == pg)
                    def _g():
                        for par in range(nbuf):
                            @pl.when(lax.rem(nxt, nbuf) == par)
                            def _start():
                                pltpu.async_copy(
                                    table.at[idxs[pg].at[rn]],
                                    bufs[par], gsem[par])

            rj = lax.rem(j, GS)
            for pg in range(2):
                @pl.when(lax.rem(lax.div(j, GS), 2) == pg)
                def _g2():
                    for par in range(nbuf):
                        @pl.when(lax.rem(j, nbuf) == par)
                        def _consume():
                            pltpu.make_async_copy(
                                table.at[idxs[pg].at[rj]],
                                bufs[par], gsem[par]).wait()
                            pltpu.sync_copy(
                                bufs[par], acc.at[idxd[pg].at[rj]], add=True)
            return carry

        lax.fori_loop(0, n_chunks, body, 0)
        plsc.subcore_barrier()
        pltpu.sync_copy(acc.at[sl], out_sum.at[c, sl])

        if with_deg:
            pltpu.sync_copy(z_d.at[pl.ds(0, rpt)], acc.at[sl])
            pltpu.sync_copy(ones_hbm, bufs[0])
            plsc.subcore_barrier()

            def dbody(j, carry):
                @pl.when(lax.rem(j, GS) == 0)
                def _stage():
                    pltpu.sync_copy(
                        dstp.at[w, pl.ds(lax.div(j, GS) * GS, GS)], idxd[0])
                pltpu.sync_copy(bufs[0], acc.at[idxd[0].at[lax.rem(j, GS)]],
                                add=True)
                return carry

            lax.fori_loop(0, n_chunks, dbody, 0)
            plsc.subcore_barrier()
            pltpu.sync_copy(acc.at[sl], out_deg.at[c, sl])

    return seg


def _sage_block(x_ref, xsum_ref, degf_ref, w1l_ref, w1r_ref, b1_ref,
                w2l_ref, w2r_ref, pq_ref):
    deg = jnp.maximum(degf_ref[0] + degf_ref[1], 1.0)
    agg = (xsum_ref[0] + xsum_ref[1]) / deg
    h = (jnp.dot(agg, w1l_ref[...], preferred_element_type=jnp.float32)
         + jnp.dot(x_ref[...], w1r_ref[...], preferred_element_type=jnp.float32)
         + b1_ref[...])
    h = jnp.maximum(h, 0.0)
    p = jnp.dot(h, w2l_ref[...], preferred_element_type=jnp.float32)
    q = jnp.dot(h, w2r_ref[...], preferred_element_type=jnp.float32)
    pq_ref[...] = jnp.concatenate([p, q], axis=1)


def _out_block(psum_ref, pq_ref, degf_ref, b2_ref, o_ref):
    d_out = o_ref.shape[1]
    deg = jnp.maximum(degf_ref[0] + degf_ref[1], 1.0)
    ps = (psum_ref[0] + psum_ref[1]) / deg
    z = ps[:, :d_out] + pq_ref[...][:, d_out:] + b2_ref[...]
    m = jnp.max(z, axis=1, keepdims=True)
    e = z - m
    o_ref[...] = e - jnp.log(jnp.sum(jnp.exp(e), axis=1, keepdims=True))


def kernel(x, W1l, W1r, b1, W2l, W2r, b2, edge_index):
    n, d_in = x.shape
    d_h = W1l.shape[1]
    d_out = W2l.shape[1]
    e = edge_index.shape[1]
    n_pad = -(-(n + 1) // 128) * 128

    nch = -(-e // (NW * CHUNK))
    nch += (-nch) % GS
    e_pad = NW * nch * CHUNK
    srcp = jnp.concatenate(
        [edge_index[0], jnp.zeros((e_pad - e,), jnp.int32)]
    ).reshape(NW, nch, CHUNK)
    dstp = jnp.concatenate(
        [edge_index[1], jnp.full((e_pad - e,), n, jnp.int32)]
    ).reshape(NW, nch, CHUNK)

    z128 = jnp.zeros((n_pad // NS, d_in), jnp.float32)
    ones = jnp.ones((CHUNK, d_in), jnp.float32)

    agg1 = _make_seg_sum(n_pad, d_in, nch, with_deg=True)
    xsum, degf = agg1(x, srcp, dstp, z128, ones)

    rb = 400
    grid = (n // rb,)
    pq = pl.pallas_call(
        _sage_block,
        grid=grid,
        in_specs=[
            pl.BlockSpec((rb, d_in), lambda i: (i, 0)),
            pl.BlockSpec((NC, rb, d_in), lambda i: (0, i, 0)),
            pl.BlockSpec((NC, rb, d_in), lambda i: (0, i, 0)),
            pl.BlockSpec((d_in, d_h), lambda i: (0, 0)),
            pl.BlockSpec((d_in, d_h), lambda i: (0, 0)),
            pl.BlockSpec((1, d_h), lambda i: (0, 0)),
            pl.BlockSpec((d_h, d_out), lambda i: (0, 0)),
            pl.BlockSpec((d_h, d_out), lambda i: (0, 0)),
        ],
        out_specs=pl.BlockSpec((rb, 2 * d_out), lambda i: (i, 0)),
        out_shape=jax.ShapeDtypeStruct((n, 2 * d_out), jnp.float32),
    )(x, xsum, degf, W1l, W1r, b1.reshape(1, d_h), W2l, W2r)

    seg2 = _make_seg_sum(n_pad, 2 * d_out, nch, with_deg=False)
    (psum,) = seg2(pq, srcp, dstp, z128)

    out = pl.pallas_call(
        _out_block,
        grid=grid,
        in_specs=[
            pl.BlockSpec((NC, rb, 2 * d_out), lambda i: (0, i, 0)),
            pl.BlockSpec((rb, 2 * d_out), lambda i: (i, 0)),
            pl.BlockSpec((NC, rb, d_in), lambda i: (0, i, 0)),
            pl.BlockSpec((1, d_out), lambda i: (0, 0)),
        ],
        out_specs=pl.BlockSpec((rb, d_out), lambda i: (i, 0)),
        out_shape=jax.ShapeDtypeStruct((n, d_out), jnp.float32),
    )(psum, pq, degf, b2.reshape(1, d_out))
    return out

# --- scband reference (transcript-rebuilt; emitter-appended) ---
"""Pipeline reference for scband-nsage-6098853560421 (READ-ONLY COPY).

The authoritative reference and input builder live on the scoring server;
editing this copy changes nothing except your own understanding.
"""

import jax, jax.numpy as jnp
import numpy as np

N = 10000
E = 320000
D_IN = 128
D_H = 4096
D_OUT = 64


def setup_inputs(seed: int = 0) -> dict:
    key = jax.random.key(seed)
    ks = jax.random.split(key, 8)
    x = jax.random.normal(ks[0], (N, D_IN), dtype=jnp.float32)
    # int32 used for portability (jax x64 disabled by default); values in [0, N)
    edge_index = jax.random.randint(ks[1], (2, E), 0, N, dtype=jnp.int32)
    s1 = 1.0 / np.sqrt(D_IN)
    s2 = 1.0 / np.sqrt(D_H)
    # SAGEConv params: lin_l (applied to aggregated neighbors, carries bias), lin_r (root)
    W1l = jax.random.uniform(ks[2], (D_IN, D_H), jnp.float32, -s1, s1)
    W1r = jax.random.uniform(ks[3], (D_IN, D_H), jnp.float32, -s1, s1)
    b1 = jax.random.uniform(ks[4], (D_H,), jnp.float32, -s1, s1)
    W2l = jax.random.uniform(ks[5], (D_H, D_OUT), jnp.float32, -s2, s2)
    W2r = jax.random.uniform(ks[6], (D_H, D_OUT), jnp.float32, -s2, s2)
    b2 = jax.random.uniform(ks[7], (D_OUT,), jnp.float32, -s2, s2)
    return {"x": x, "W1l": W1l, "W1r": W1r, "b1": b1, "W2l": W2l, "W2r": W2r, "b2": b2, "edge_index": edge_index}


def _mean_agg(m, src, dst):
    # mean aggregation of source-node messages at destination nodes
    s = jax.ops.segment_sum(m[src], dst, num_segments=N)
    deg = jax.ops.segment_sum(jnp.ones((src.shape[0],), dtype=m.dtype), dst, num_segments=N)
    return s / jnp.clip(deg, 1.0)[:, None]


def reference(x, W1l, W1r, b1, W2l, W2r, b2, edge_index):
    src, dst = edge_index[0], edge_index[1]
    x = x.astype(jnp.float32)
    # SAGEConv layer 1: lin_l(mean_agg(x)) + lin_r(x)
    h = _mean_agg(x, src, dst) @ W1l + x @ W1r + b1
    h = jax.nn.relu(h)
    # dropout is identity in eval mode (F.dropout with training=False)
    # SAGEConv layer 2. Mean aggregation is linear, so agg(h) @ W == agg(h @ W);
    # project first to avoid materializing an E x 4096 message buffer (same math).
    out = _mean_agg(h @ W2l, src, dst) + h @ W2r + b2
    return jax.nn.log_softmax(out, axis=1)

if __name__ == "__main__":
    import jax
    _d = setup_inputs()
    print(jax.jit(kernel)(*tuple(_d.values())))

</pallas_src>

<mosaic_0001>
#map = affine_map<(d0, d1) -> (0, 0)>
#map1 = affine_map<(d0, d1) -> (0, 0, 0)>
module attributes {stable_mosaic.version = 14 : i64} {
  func.func @seg(%arg0: i32, %arg1: i32, %arg2: memref<10000x128xf32, #tpu.memory_space<hbm>>, %arg3: memref<32x80x128xi32, #tpu.memory_space<hbm>>, %arg4: memref<32x80x128xi32, #tpu.memory_space<hbm>>, %arg5: memref<632x128xf32, #tpu.memory_space<hbm>>, %arg6: memref<128x128xf32, #tpu.memory_space<hbm>>, %arg7: memref<2x10112x128xf32, #tpu.memory_space<hbm>>, %arg8: memref<2x10112x128xf32, #tpu.memory_space<hbm>>, %arg9: memref<16x128xi32, #tpu.memory_space<vmem>>, %arg10: memref<16x128xi32, #tpu.memory_space<vmem>>, %arg11: memref<16x128xi32, #tpu.memory_space<vmem>>, %arg12: memref<16x128xi32, #tpu.memory_space<vmem>>, %arg13: memref<128x128xf32, #tpu.memory_space<vmem>>, %arg14: memref<128x128xf32, #tpu.memory_space<vmem>>, %arg15: memref<10112x128xf32, #tpu.memory_space<vmem_shared>>, %arg16: memref<!tpu.dma_semaphore, #tpu.memory_space<semaphore_mem>>, %arg17: memref<!tpu.dma_semaphore, #tpu.memory_space<semaphore_mem>>, %arg18: memref<!tpu.dma_semaphore, #tpu.memory_space<semaphore_mem>>, %arg19: memref<!tpu.dma_semaphore, #tpu.memory_space<semaphore_mem>>) attributes {dimension_semantics = [#tpu.dimension_semantics<core_parallel>, #tpu.dimension_semantics<subcore_parallel>], iteration_bounds = array<i64: 2, 16>, scalar_prefetch = 0 : i64, scratch_operands = 11 : i64, tpu.core_type = #tpu.core_type<sc_vector_subcore>, window_params = [{transform_indices = #map}, {transform_indices = #map1}, {transform_indices = #map1}, {transform_indices = #map}, {transform_indices = #map}, {transform_indices = #map1}, {transform_indices = #map1}]} {
    %mul3A = arith.constant 2 : i32
    %mul3A_0 = arith.muli %arg1, %mul3A : i32
    %add3A = arith.addi %mul3A_0, %arg0 : i32
    %mul3A_1 = arith.constant 632 : i32
    %mul3A_2 = arith.muli %arg1, %mul3A_1 : i32
    "tpu.region"() ({
      %run_scoped3A = tpu.sem_alloc : memref<!tpu.dma_semaphore, #tpu.memory_space<semaphore_mem>>
      %dma_start3A_54 = arith.constant 0 : i32
      %dma_start3A_55 = tpu.memref_slice %arg15[%mul3A_2, %dma_start3A_54] : memref<10112x128xf32, #tpu.memory_space<vmem_shared>> -> memref<632x128xf32, #tpu.memory_space<vmem_shared>>
      %dma_start3A_56 = arith.constant 0 : i32
      %dma_start3A_57 = arith.constant 0 : i32
      %dma_start3A_58 = tpu.memref_slice %arg5[%dma_start3A_56, %dma_start3A_57] : memref<632x128xf32, #tpu.memory_space<hbm>> -> memref<632x128xf32, #tpu.memory_space<hbm>>
      tpu.enqueue_dma source(%dma_start3A_58 : memref<632x128xf32, #tpu.memory_space<hbm>>) target(%dma_start3A_55 : memref<632x128xf32, #tpu.memory_space<vmem_shared>>) target_semaphore(%run_scoped3A : memref<!tpu.dma_semaphore, #tpu.memory_space<semaphore_mem>>)
      %dma_wait3A_59 = arith.constant 0 : i32
      %dma_wait3A_60 = tpu.memref_slice %arg15[%mul3A_2, %dma_wait3A_59] : memref<10112x128xf32, #tpu.memory_space<vmem_shared>> -> memref<632x128xf32, #tpu.memory_space<vmem_shared>>
      %dma_wait3A_61 = arith.constant 0 : i32
      %dma_wait3A_62 = arith.constant 0 : i32
      %dma_wait3A_63 = tpu.memref_slice %arg5[%dma_wait3A_61, %dma_wait3A_62] : memref<632x128xf32, #tpu.memory_space<hbm>> -> memref<632x128xf32, #tpu.memory_space<hbm>>
      tpu.wait_dma2 semaphore(%run_scoped3A : memref<!tpu.dma_semaphore, #tpu.memory_space<semaphore_mem>>) src(%dma_wait3A_63 : memref<632x128xf32, #tpu.memory_space<hbm>>) dst(%dma_wait3A_60 : memref<632x128xf32, #tpu.memory_space<vmem_shared>>)
      tpu.yield
    }) : () -> ()
    %dma_start3A = arith.constant 0 : i32
    %dma_start3A_3 = arith.constant 0 : i32
    %dma_start3A_4 = tpu.memref_slice %arg3[%add3A, %dma_start3A, %dma_start3A_3] : memref<32x80x128xi32, #tpu.memory_space<hbm>> -> memref<1x16x128xi32, #tpu.memory_space<hbm>>
    %dma_start3A_5 = tpu.memref_squeeze %dma_start3A_4 : memref<1x16x128xi32, #tpu.memory_space<hbm>> -> memref<16x128xi32, #tpu.memory_space<hbm>>
    %dma_start3A_6 = arith.constant 0 : i32
    %dma_start3A_7 = arith.constant 0 : i32
    %dma_start3A_8 = tpu.memref_slice %arg3[%add3A, %dma_start3A_6, %dma_start3A_7] : memref<32x80x128xi32, #tpu.memory_space<hbm>> -> memref<1x16x128xi32, #tpu.memory_space<hbm>>
    %dma_start3A_9 = tpu.memref_squeeze %dma_start3A_8 : memref<1x16x128xi32, #tpu.memory_space<hbm>> -> memref<16x128xi32, #tpu.memory_space<hbm>>
    tpu.enqueue_dma source(%dma_start3A_9 : memref<16x128xi32, #tpu.memory_space<hbm>>) target(%arg9 : memref<16x128xi32, #tpu.memory_space<vmem>>) target_semaphore(%arg18 : memref<!tpu.dma_semaphore, #tpu.memory_space<semaphore_mem>>)
    %dma_start3A_10 = arith.constant 0 : i32
    %dma_start3A_11 = arith.constant 0 : i32
    %dma_start3A_12 = tpu.memref_slice %arg4[%add3A, %dma_start3A_10, %dma_start3A_11] : memref<32x80x128xi32, #tpu.memory_space<hbm>> -> memref<1x16x128xi32, #tpu.memory_space<hbm>>
    %dma_start3A_13 = tpu.memref_squeeze %dma_start3A_12 : memref<1x16x128xi32, #tpu.memory_space<hbm>> -> memref<16x128xi32, #tpu.memory_space<hbm>>
    %dma_start3A_14 = arith.constant 0 : i32
    %dma_start3A_15 = arith.constant 0 : i32
    %dma_start3A_16 = tpu.memref_slice %arg4[%add3A, %dma_start3A_14, %dma_start3A_15] : memref<32x80x128xi32, #tpu.memory_space<hbm>> -> memref<1x16x128xi32, #tpu.memory_space<hbm>>
    %dma_start3A_17 = tpu.memref_squeeze %dma_start3A_16 : memref<1x16x128xi32, #tpu.memory_space<hbm>> -> memref<16x128xi32, #tpu.memory_space<hbm>>
    tpu.enqueue_dma source(%dma_start3A_17 : memref<16x128xi32, #tpu.memory_space<hbm>>) target(%arg11 : memref<16x128xi32, #tpu.memory_space<vmem>>) target_semaphore(%arg18 : memref<!tpu.dma_semaphore, #tpu.memory_space<semaphore_mem>>)
    %dma_wait3A = arith.constant 0 : i32
    %dma_wait3A_18 = arith.constant 0 : i32
    %dma_wait3A_19 = tpu.memref_slice %arg3[%add3A, %dma_wait3A, %dma_wait3A_18] : memref<32x80x128xi32, #tpu.memory_space<hbm>> -> memref<1x16x128xi32, #tpu.memory_space<hbm>>
    %dma_wait3A_20 = tpu.memref_squeeze %dma_wait3A_19 : memref<1x16x128xi32, #tpu.memory_space<hbm>> -> memref<16x128xi32, #tpu.memory_space<hbm>>
    %dma_wait3A_21 = arith.constant 0 : i32
    %dma_wait3A_22 = arith.constant 0 : i32
    %dma_wait3A_23 = tpu.memref_slice %arg3[%add3A, %dma_wait3A_21, %dma_wait3A_22] : memref<32x80x128xi32, #tpu.memory_space<hbm>> -> memref<1x16x128xi32, #tpu.memory_space<hbm>>
    %dma_wait3A_24 = tpu.memref_squeeze %dma_wait3A_23 : memref<1x16x128xi32, #tpu.memory_space<hbm>> -> memref<16x128xi32, #tpu.memory_space<hbm>>
    tpu.wait_dma2 semaphore(%arg18 : memref<!tpu.dma_semaphore, #tpu.memory_space<semaphore_mem>>) src(%dma_wait3A_24 : memref<16x128xi32, #tpu.memory_space<hbm>>) dst(%arg9 : memref<16x128xi32, #tpu.memory_space<vmem>>)
    %dma_wait3A_25 = arith.constant 0 : i32
    %dma_wait3A_26 = arith.constant 0 : i32
    %dma_wait3A_27 = tpu.memref_slice %arg4[%add3A, %dma_wait3A_25, %dma_wait3A_26] : memref<32x80x128xi32, #tpu.memory_space<hbm>> -> memref<1x16x128xi32, #tpu.memory_space<hbm>>
    %dma_wait3A_28 = tpu.memref_squeeze %dma_wait3A_27 : memref<1x16x128xi32, #tpu.memory_space<hbm>> -> memref<16x128xi32, #tpu.memory_space<hbm>>
    %dma_wait3A_29 = arith.constant 0 : i32
    %dma_wait3A_30 = arith.constant 0 : i32
    %dma_wait3A_31 = tpu.memref_slice %arg4[%add3A, %dma_wait3A_29, %dma_wait3A_30] : memref<32x80x128xi32, #tpu.memory_space<hbm>> -> memref<1x16x128xi32, #tpu.memory_space<hbm>>
    %dma_wait3A_32 = tpu.memref_squeeze %dma_wait3A_31 : memref<1x16x128xi32, #tpu.memory_space<hbm>> -> memref<16x128xi32, #tpu.memory_space<hbm>>
    tpu.wait_dma2 semaphore(%arg18 : memref<!tpu.dma_semaphore, #tpu.memory_space<semaphore_mem>>) src(%dma_wait3A_32 : memref<16x128xi32, #tpu.memory_space<hbm>>) dst(%arg11 : memref<16x128xi32, #tpu.memory_space<vmem>>)
    %barrier3A = arith.constant 0 : index
    tpu.barrier barrier_id(%barrier3A)
    %dma_start3A_33 = arith.constant 0 : i32
    %dma_start3A_34 = arith.constant 0 : i32
    %dma_start3A_35 = tpu.memref_slice %arg9[%dma_start3A_33, %dma_start3A_34] : memref<16x128xi32, #tpu.memory_space<vmem>> -> memref<1x128xi32, #tpu.memory_space<vmem>>
    %dma_start3A_36 = tpu.memref_squeeze %dma_start3A_35 : memref<1x128xi32, #tpu.memory_space<vmem>> -> memref<128xi32, #tpu.memory_space<vmem>>
    %dma_start3A_37 = arith.constant 0 : i32
    %dma_start3A_38 = arith.constant 0 : i32
    %dma_start3A_39 = tpu.memref_slice %arg2[%dma_start3A_37, %dma_start3A_38] : memref<10000x128xf32, #tpu.memory_space<hbm>> -> memref<10000x128xf32, #tpu.memory_space<hbm>>
    tpu.enqueue_indirect_dma source(%dma_start3A_39 : memref<10000x128xf32, #tpu.memory_space<hbm>>) target(%arg13 : memref<128x128xf32, #tpu.memory_space<vmem>>) offsets(%dma_start3A_36 : memref<128xi32, #tpu.memory_space<vmem>>) semaphore(%arg16 : memref<!tpu.dma_semaphore, #tpu.memory_space<semaphore_mem>>)
    %scan3A = arith.constant 0 : i32
    %scan3A_40 = arith.constant 0 : i32
    %scan3A_41 = arith.constant 80 : i32
    %scan3A_42 = arith.addi %scan3A_40, %scan3A_41 : i32
    %scan3A_43 = arith.constant 1 : i32
    scf.for %scan3A_54 = %scan3A_40 to %scan3A_42 step %scan3A_43  : i32 {
      %rem3A = arith.constant 16 : i32
      %rem3A_55 = arith.remsi %scan3A_54, %rem3A : i32
      %eq3A = arith.constant 0 : i32
      %eq3A_56 = arith.cmpi eq, %rem3A_55, %eq3A : i32
      %convert_element_type3A = arith.extui %eq3A_56 : i1 to i32
      %cond3A = arith.constant 0 : i32
      %cond3A_57 = arith.cmpi ne, %convert_element_type3A, %cond3A : i32
      scf.if %cond3A_57 {
        %div3A_90 = arith.constant 16 : i32
        %div3A_91 = arith.divsi %scan3A_54, %div3A_90 : i32
        %add3A_92 = arith.constant 1 : i32
        %add3A_93 = arith.addi %div3A_91, %add3A_92 : i32
        %rem3A_94 = arith.constant 2 : i32
        %rem3A_95 = arith.remsi %add3A_93, %rem3A_94 : i32
        %eq3A_96 = arith.constant 0 : i32
        %eq3A_97 = arith.cmpi eq, %rem3A_95, %eq3A_96 : i32
        %convert_element_type3A_98 = arith.extui %eq3A_97 : i1 to i32
        %cond3A_99 = arith.constant 0 : i32
        %cond3A_100 = arith.cmpi ne, %convert_element_type3A_98, %cond3A_99 : i32
        scf.if %cond3A_100 {
          %add3A_110 = arith.constant 1 : i32
          %add3A_111 = arith.addi %div3A_91, %add3A_110 : i32
          %mul3A_112 = arith.constant 16 : i32
          %mul3A_113 = arith.muli %add3A_111, %mul3A_112 : i32
          %lt3A_114 = arith.constant 80 : i32
          %lt3A_115 = arith.cmpi slt, %mul3A_113, %lt3A_114 : i32
          %convert_element_type3A_116 = arith.extui %lt3A_115 : i1 to i32
          %cond3A_117 = arith.constant 0 : i32
          %cond3A_118 = arith.cmpi ne, %convert_element_type3A_116, %cond3A_117 : i32
          scf.if %cond3A_118 {
            %add3A_119 = arith.constant 1 : i32
            %add3A_120 = arith.addi %div3A_91, %add3A_119 : i32
            %mul3A_121 = arith.constant 16 : i32
            %mul3A_122 = arith.muli %add3A_120, %mul3A_121 : i32
            %dma_start3A_123 = arith.constant 0 : i32
            %dma_start3A_124 = tpu.memref_slice %arg3[%add3A, %mul3A_122, %dma_start3A_123] : memref<32x80x128xi32, #tpu.memory_space<hbm>> -> memref<1x16x128xi32, #tpu.memory_space<hbm>>
            %dma_start3A_125 = tpu.memref_squeeze %dma_start3A_124 : memref<1x16x128xi32, #tpu.memory_space<hbm>> -> memref<16x128xi32, #tpu.memory_space<hbm>>
            %dma_start3A_126 = arith.constant 0 : i32
            %dma_start3A_127 = tpu.memref_slice %arg3[%add3A, %mul3A_122, %dma_start3A_126] : memref<32x80x128xi32, #tpu.memory_space<hbm>> -> memref<1x16x128xi32, #tpu.memory_space<hbm>>
            %dma_start3A_128 = tpu.memref_squeeze %dma_start3A_127 : memref<1x16x128xi32, #tpu.memory_space<hbm>> -> memref<16x128xi32, #tpu.memory_space<hbm>>
            tpu.enqueue_dma source(%dma_start3A_128 : memref<16x128xi32, #tpu.memory_space<hbm>>) target(%arg9 : memref<16x128xi32, #tpu.memory_space<vmem>>) target_semaphore(%arg18 : memref<!tpu.dma_semaphore, #tpu.memory_space<semaphore_mem>>)
            %mul3A_129 = arith.constant 16 : i32
            %mul3A_130 = arith.muli %add3A_120, %mul3A_129 : i32
            %dma_start3A_131 = arith.constant 0 : i32
            %dma_start3A_132 = tpu.memref_slice %arg4[%add3A, %mul3A_130, %dma_start3A_131] : memref<32x80x128xi32, #tpu.memory_space<hbm>> -> memref<1x16x128xi32, #tpu.memory_space<hbm>>
            %dma_start3A_133 = tpu.memref_squeeze %dma_start3A_132 : memref<1x16x128xi32, #tpu.memory_space<hbm>> -> memref<16x128xi32, #tpu.memory_space<hbm>>
            %dma_start3A_134 = arith.constant 0 : i32
            %dma_start3A_135 = tpu.memref_slice %arg4[%add3A, %mul3A_130, %dma_start3A_134] : memref<32x80x128xi32, #tpu.memory_space<hbm>> -> memref<1x16x128xi32, #tpu.memory_space<hbm>>
            %dma_start3A_136 = tpu.memref_squeeze %dma_start3A_135 : memref<1x16x128xi32, #tpu.memory_space<hbm>> -> memref<16x128xi32, #tpu.memory_space<hbm>>
            tpu.enqueue_dma source(%dma_start3A_136 : memref<16x128xi32, #tpu.memory_space<hbm>>) target(%arg11 : memref<16x128xi32, #tpu.memory_space<vmem>>) target_semaphore(%arg18 : memref<!tpu.dma_semaphore, #tpu.memory_space<semaphore_mem>>)
          } else {
          }
        } else {
        }
        %add3A_101 = arith.constant 1 : i32
        %add3A_102 = arith.addi %div3A_91, %add3A_101 : i32
        %rem3A_103 = arith.constant 2 : i32
        %rem3A_104 = arith.remsi %add3A_102, %rem3A_103 : i32
        %eq3A_105 = arith.constant 1 : i32
        %eq3A_106 = arith.cmpi eq, %rem3A_104, %eq3A_105 : i32
        %convert_element_type3A_107 = arith.extui %eq3A_106 : i1 to i32
        %cond3A_108 = arith.constant 0 : i32
        %cond3A_109 = arith.cmpi ne, %convert_element_type3A_107, %cond3A_108 : i32
        scf.if %cond3A_109 {
          %add3A_110 = arith.constant 1 : i32
          %add3A_111 = arith.addi %div3A_91, %add3A_110 : i32
          %mul3A_112 = arith.constant 16 : i32
          %mul3A_113 = arith.muli %add3A_111, %mul3A_112 : i32
          %lt3A_114 = arith.constant 80 : i32
          %lt3A_115 = arith.cmpi slt, %mul3A_113, %lt3A_114 : i32
          %convert_element_type3A_116 = arith.extui %lt3A_115 : i1 to i32
          %cond3A_117 = arith.constant 0 : i32
          %cond3A_118 = arith.cmpi ne, %convert_element_type3A_116, %cond3A_117 : i32
          scf.if %cond3A_118 {
            %add3A_119 = arith.constant 1 : i32
            %add3A_120 = arith.addi %div3A_91, %add3A_119 : i32
            %mul3A_121 = arith.constant 16 : i32
            %mul3A_122 = arith.muli %add3A_120, %mul3A_121 : i32
            %dma_start3A_123 = arith.constant 0 : i32
            %dma_start3A_124 = tpu.memref_slice %arg3[%add3A, %mul3A_122, %dma_start3A_123] : memref<32x80x128xi32, #tpu.memory_space<hbm>> -> memref<1x16x128xi32, #tpu.memory_space<hbm>>
            %dma_start3A_125 = tpu.memref_squeeze %dma_start3A_124 : memref<1x16x128xi32, #tpu.memory_space<hbm>> -> memref<16x128xi32, #tpu.memory_space<hbm>>
            %dma_start3A_126 = arith.constant 0 : i32
            %dma_start3A_127 = tpu.memref_slice %arg3[%add3A, %mul3A_122, %dma_start3A_126] : memref<32x80x128xi32, #tpu.memory_space<hbm>> -> memref<1x16x128xi32, #tpu.memory_space<hbm>>
            %dma_start3A_128 = tpu.memref_squeeze %dma_start3A_127 : memref<1x16x128xi32, #tpu.memory_space<hbm>> -> memref<16x128xi32, #tpu.memory_space<hbm>>
            tpu.enqueue_dma source(%dma_start3A_128 : memref<16x128xi32, #tpu.memory_space<hbm>>) target(%arg10 : memref<16x128xi32, #tpu.memory_space<vmem>>) target_semaphore(%arg19 : memref<!tpu.dma_semaphore, #tpu.memory_space<semaphore_mem>>)
            %mul3A_129 = arith.constant 16 : i32
            %mul3A_130 = arith.muli %add3A_120, %mul3A_129 : i32
            %dma_start3A_131 = arith.constant 0 : i32
            %dma_start3A_132 = tpu.memref_slice %arg4[%add3A, %mul3A_130, %dma_start3A_131] : memref<32x80x128xi32, #tpu.memory_space<hbm>> -> memref<1x16x128xi32, #tpu.memory_space<hbm>>
            %dma_start3A_133 = tpu.memref_squeeze %dma_start3A_132 : memref<1x16x128xi32, #tpu.memory_space<hbm>> -> memref<16x128xi32, #tpu.memory_space<hbm>>
            %dma_start3A_134 = arith.constant 0 : i32
            %dma_start3A_135 = tpu.memref_slice %arg4[%add3A, %mul3A_130, %dma_start3A_134] : memref<32x80x128xi32, #tpu.memory_space<hbm>> -> memref<1x16x128xi32, #tpu.memory_space<hbm>>
            %dma_start3A_136 = tpu.memref_squeeze %dma_start3A_135 : memref<1x16x128xi32, #tpu.memory_space<hbm>> -> memref<16x128xi32, #tpu.memory_space<hbm>>
            tpu.enqueue_dma source(%dma_start3A_136 : memref<16x128xi32, #tpu.memory_space<hbm>>) target(%arg12 : memref<16x128xi32, #tpu.memory_space<vmem>>) target_semaphore(%arg19 : memref<!tpu.dma_semaphore, #tpu.memory_space<semaphore_mem>>)
          } else {
          }
        } else {
        }
      } else {
      }
      %rem3A_58 = arith.constant 16 : i32
      %rem3A_59 = arith.remsi %scan3A_54, %rem3A_58 : i32
      %eq3A_60 = arith.constant 15 : i32
      %eq3A_61 = arith.cmpi eq, %rem3A_59, %eq3A_60 : i32
      %convert_element_type3A_62 = arith.extui %eq3A_61 : i1 to i32
      %cond3A_63 = arith.constant 0 : i32
      %cond3A_64 = arith.cmpi ne, %convert_element_type3A_62, %cond3A_63 : i32
      scf.if %cond3A_64 {
        %div3A_90 = arith.constant 16 : i32
        %div3A_91 = arith.divsi %scan3A_54, %div3A_90 : i32
        %add3A_92 = arith.constant 1 : i32
        %add3A_93 = arith.addi %div3A_91, %add3A_92 : i32
        %rem3A_94 = arith.constant 2 : i32
        %rem3A_95 = arith.remsi %add3A_93, %rem3A_94 : i32
        %eq3A_96 = arith.constant 0 : i32
        %eq3A_97 = arith.cmpi eq, %rem3A_95, %eq3A_96 : i32
        %convert_element_type3A_98 = arith.extui %eq3A_97 : i1 to i32
        %cond3A_99 = arith.constant 0 : i32
        %cond3A_100 = arith.cmpi ne, %convert_element_type3A_98, %cond3A_99 : i32
        scf.if %cond3A_100 {
          %add3A_110 = arith.constant 1 : i32
          %add3A_111 = arith.addi %div3A_91, %add3A_110 : i32
          %mul3A_112 = arith.constant 16 : i32
          %mul3A_113 = arith.muli %add3A_111, %mul3A_112 : i32
          %lt3A_114 = arith.constant 80 : i32
          %lt3A_115 = arith.cmpi slt, %mul3A_113, %lt3A_114 : i32
          %convert_element_type3A_116 = arith.extui %lt3A_115 : i1 to i32
          %cond3A_117 = arith.constant 0 : i32
          %cond3A_118 = arith.cmpi ne, %convert_element_type3A_116, %cond3A_117 : i32
          scf.if %cond3A_118 {
            %add3A_119 = arith.constant 1 : i32
            %add3A_120 = arith.addi %div3A_91, %add3A_119 : i32
            %mul3A_121 = arith.constant 16 : i32
            %mul3A_122 = arith.muli %add3A_120, %mul3A_121 : i32
            %dma_wait3A_123 = arith.constant 0 : i32
            %dma_wait3A_124 = tpu.memref_slice %arg3[%add3A, %mul3A_122, %dma_wait3A_123] : memref<32x80x128xi32, #tpu.memory_space<hbm>> -> memref<1x16x128xi32, #tpu.memory_space<hbm>>
            %dma_wait3A_125 = tpu.memref_squeeze %dma_wait3A_124 : memref<1x16x128xi32, #tpu.memory_space<hbm>> -> memref<16x128xi32, #tpu.memory_space<hbm>>
            %dma_wait3A_126 = arith.constant 0 : i32
            %dma_wait3A_127 = tpu.memref_slice %arg3[%add3A, %mul3A_122, %dma_wait3A_126] : memref<32x80x128xi32, #tpu.memory_space<hbm>> -> memref<1x16x128xi32, #tpu.memory_space<hbm>>
            %dma_wait3A_128 = tpu.memref_squeeze %dma_wait3A_127 : memref<1x16x128xi32, #tpu.memory_space<hbm>> -> memref<16x128xi32, #tpu.memory_space<hbm>>
            tpu.wait_dma2 semaphore(%arg18 : memref<!tpu.dma_semaphore, #tpu.memory_space<semaphore_mem>>) src(%dma_wait3A_128 : memref<16x128xi32, #tpu.memory_space<hbm>>) dst(%arg9 : memref<16x128xi32, #tpu.memory_space<vmem>>)
            %mul3A_129 = arith.constant 16 : i32
            %mul3A_130 = arith.muli %add3A_120, %mul3A_129 : i32
            %dma_wait3A_131 = arith.constant 0 : i32
            %dma_wait3A_132 = tpu.memref_slice %arg4[%add3A, %mul3A_130, %dma_wait3A_131] : memref<32x80x128xi32, #tpu.memory_space<hbm>> -> memref<1x16x128xi32, #tpu.memory_space<hbm>>
            %dma_wait3A_133 = tpu.memref_squeeze %dma_wait3A_132 : memref<1x16x128xi32, #tpu.memory_space<hbm>> -> memref<16x128xi32, #tpu.memory_space<hbm>>
            %dma_wait3A_134 = arith.constant 0 : i32
            %dma_wait3A_135 = tpu.memref_slice %arg4[%add3A, %mul3A_130, %dma_wait3A_134] : memref<32x80x128xi32, #tpu.memory_space<hbm>> -> memref<1x16x128xi32, #tpu.memory_space<hbm>>
            %dma_wait3A_136 = tpu.memref_squeeze %dma_wait3A_135 : memref<1x16x128xi32, #tpu.memory_space<hbm>> -> memref<16x128xi32, #tpu.memory_space<hbm>>
            tpu.wait_dma2 semaphore(%arg18 : memref<!tpu.dma_semaphore, #tpu.memory_space<semaphore_mem>>) src(%dma_wait3A_136 : memref<16x128xi32, #tpu.memory_space<hbm>>) dst(%arg11 : memref<16x128xi32, #tpu.memory_space<vmem>>)
          } else {
          }
        } else {
        }
        %add3A_101 = arith.constant 1 : i32
        %add3A_102 = arith.addi %div3A_91, %add3A_101 : i32
        %rem3A_103 = arith.constant 2 : i32
        %rem3A_104 = arith.remsi %add3A_102, %rem3A_103 : i32
        %eq3A_105 = arith.constant 1 : i32
        %eq3A_106 = arith.cmpi eq, %rem3A_104, %eq3A_105 : i32
        %convert_element_type3A_107 = arith.extui %eq3A_106 : i1 to i32
        %cond3A_108 = arith.constant 0 : i32
        %cond3A_109 = arith.cmpi ne, %convert_element_type3A_107, %cond3A_108 : i32
        scf.if %cond3A_109 {
          %add3A_110 = arith.constant 1 : i32
          %add3A_111 = arith.addi %div3A_91, %add3A_110 : i32
          %mul3A_112 = arith.constant 16 : i32
          %mul3A_113 = arith.muli %add3A_111, %mul3A_112 : i32
          %lt3A_114 = arith.constant 80 : i32
          %lt3A_115 = arith.cmpi slt, %mul3A_113, %lt3A_114 : i32
          %convert_element_type3A_116 = arith.extui %lt3A_115 : i1 to i32
          %cond3A_117 = arith.constant 0 : i32
          %cond3A_118 = arith.cmpi ne, %convert_element_type3A_116, %cond3A_117 : i32
          scf.if %cond3A_118 {
            %add3A_119 = arith.constant 1 : i32
            %add3A_120 = arith.addi %div3A_91, %add3A_119 : i32
            %mul3A_121 = arith.constant 16 : i32
            %mul3A_122 = arith.muli %add3A_120, %mul3A_121 : i32
            %dma_wait3A_123 = arith.constant 0 : i32
            %dma_wait3A_124 = tpu.memref_slice %arg3[%add3A, %mul3A_122, %dma_wait3A_123] : memref<32x80x128xi32, #tpu.memory_space<hbm>> -> memref<1x16x128xi32, #tpu.memory_space<hbm>>
            %dma_wait3A_125 = tpu.memref_squeeze %dma_wait3A_124 : memref<1x16x128xi32, #tpu.memory_space<hbm>> -> memref<16x128xi32, #tpu.memory_space<hbm>>
            %dma_wait3A_126 = arith.constant 0 : i32
            %dma_wait3A_127 = tpu.memref_slice %arg3[%add3A, %mul3A_122, %dma_wait3A_126] : memref<32x80x128xi32, #tpu.memory_space<hbm>> -> memref<1x16x128xi32, #tpu.memory_space<hbm>>
            %dma_wait3A_128 = tpu.memref_squeeze %dma_wait3A_127 : memref<1x16x128xi32, #tpu.memory_space<hbm>> -> memref<16x128xi32, #tpu.memory_space<hbm>>
            tpu.wait_dma2 semaphore(%arg19 : memref<!tpu.dma_semaphore, #tpu.memory_space<semaphore_mem>>) src(%dma_wait3A_128 : memref<16x128xi32, #tpu.memory_space<hbm>>) dst(%arg10 : memref<16x128xi32, #tpu.memory_space<vmem>>)
            %mul3A_129 = arith.constant 16 : i32
            %mul3A_130 = arith.muli %add3A_120, %mul3A_129 : i32
            %dma_wait3A_131 = arith.constant 0 : i32
            %dma_wait3A_132 = tpu.memref_slice %arg4[%add3A, %mul3A_130, %dma_wait3A_131] : memref<32x80x128xi32, #tpu.memory_space<hbm>> -> memref<1x16x128xi32, #tpu.memory_space<hbm>>
            %dma_wait3A_133 = tpu.memref_squeeze %dma_wait3A_132 : memref<1x16x128xi32, #tpu.memory_space<hbm>> -> memref<16x128xi32, #tpu.memory_space<hbm>>
            %dma_wait3A_134 = arith.constant 0 : i32
            %dma_wait3A_135 = tpu.memref_slice %arg4[%add3A, %mul3A_130, %dma_wait3A_134] : memref<32x80x128xi32, #tpu.memory_space<hbm>> -> memref<1x16x128xi32, #tpu.memory_space<hbm>>
            %dma_wait3A_136 = tpu.memref_squeeze %dma_wait3A_135 : memref<1x16x128xi32, #tpu.memory_space<hbm>> -> memref<16x128xi32, #tpu.memory_space<hbm>>
            tpu.wait_dma2 semaphore(%arg19 : memref<!tpu.dma_semaphore, #tpu.memory_space<semaphore_mem>>) src(%dma_wait3A_136 : memref<16x128xi32, #tpu.memory_space<hbm>>) dst(%arg12 : memref<16x128xi32, #tpu.memory_space<vmem>>)
          } else {
          }
        } else {
        }
      } else {
      }
      %add3A_65 = arith.constant 1 : i32
      %add3A_66 = arith.addi %scan3A_54, %add3A_65 : i32
      %lt3A = arith.constant 80 : i32
      %lt3A_67 = arith.cmpi slt, %add3A_66, %lt3A : i32
      %convert_element_type3A_68 = arith.extui %lt3A_67 : i1 to i32
      %cond3A_69 = arith.constant 0 : i32
      %cond3A_70 = arith.cmpi ne, %convert_element_type3A_68, %cond3A_69 : i32
      scf.if %cond3A_70 {
        %rem3A_90 = arith.constant 16 : i32
        %rem3A_91 = arith.remsi %add3A_66, %rem3A_90 : i32
        %div3A_92 = arith.constant 16 : i32
        %div3A_93 = arith.divsi %add3A_66, %div3A_92 : i32
        %rem3A_94 = arith.constant 2 : i32
        %rem3A_95 = arith.remsi %div3A_93, %rem3A_94 : i32
        %eq3A_96 = arith.constant 0 : i32
        %eq3A_97 = arith.cmpi eq, %rem3A_95, %eq3A_96 : i32
        %convert_element_type3A_98 = arith.extui %eq3A_97 : i1 to i32
        %cond3A_99 = arith.constant 0 : i32
        %cond3A_100 = arith.cmpi ne, %convert_element_type3A_98, %cond3A_99 : i32
        scf.if %cond3A_100 {
          %rem3A_110 = arith.constant 2 : i32
          %rem3A_111 = arith.remsi %add3A_66, %rem3A_110 : i32
          %eq3A_112 = arith.constant 0 : i32
          %eq3A_113 = arith.cmpi eq, %rem3A_111, %eq3A_112 : i32
          %convert_element_type3A_114 = arith.extui %eq3A_113 : i1 to i32
          %cond3A_115 = arith.constant 0 : i32
          %cond3A_116 = arith.cmpi ne, %convert_element_type3A_114, %cond3A_115 : i32
          scf.if %cond3A_116 {
            %dma_start3A_124 = arith.constant 0 : i32
            %dma_start3A_125 = tpu.memref_slice %arg9[%rem3A_91, %dma_start3A_124] : memref<16x128xi32, #tpu.memory_space<vmem>> -> memref<1x128xi32, #tpu.memory_space<vmem>>
            %dma_start3A_126 = tpu.memref_squeeze %dma_start3A_125 : memref<1x128xi32, #tpu.memory_space<vmem>> -> memref<128xi32, #tpu.memory_space<vmem>>
            %dma_start3A_127 = arith.constant 0 : i32
            %dma_start3A_128 = arith.constant 0 : i32
            %dma_start3A_129 = tpu.memref_slice %arg2[%dma_start3A_127, %dma_start3A_128] : memref<10000x128xf32, #tpu.memory_space<hbm>> -> memref<10000x128xf32, #tpu.memory_space<hbm>>
            tpu.enqueue_indirect_dma source(%dma_start3A_129 : memref<10000x128xf32, #tpu.memory_space<hbm>>) target(%arg13 : memref<128x128xf32, #tpu.memory_space<vmem>>) offsets(%dma_start3A_126 : memref<128xi32, #tpu.memory_space<vmem>>) semaphore(%arg16 : memref<!tpu.dma_semaphore, #tpu.memory_space<semaphore_mem>>)
          } else {
          }
          %rem3A_117 = arith.constant 2 : i32
          %rem3A_118 = arith.remsi %add3A_66, %rem3A_117 : i32
          %eq3A_119 = arith.constant 1 : i32
          %eq3A_120 = arith.cmpi eq, %rem3A_118, %eq3A_119 : i32
          %convert_element_type3A_121 = arith.extui %eq3A_120 : i1 to i32
          %cond3A_122 = arith.constant 0 : i32
          %cond3A_123 = arith.cmpi ne, %convert_element_type3A_121, %cond3A_122 : i32
          scf.if %cond3A_123 {
            %dma_start3A_124 = arith.constant 0 : i32
            %dma_start3A_125 = tpu.memref_slice %arg9[%rem3A_91, %dma_start3A_124] : memref<16x128xi32, #tpu.memory_space<vmem>> -> memref<1x128xi32, #tpu.memory_space<vmem>>
            %dma_start3A_126 = tpu.memref_squeeze %dma_start3A_125 : memref<1x128xi32, #tpu.memory_space<vmem>> -> memref<128xi32, #tpu.memory_space<vmem>>
            %dma_start3A_127 = arith.constant 0 : i32
            %dma_start3A_128 = arith.constant 0 : i32
            %dma_start3A_129 = tpu.memref_slice %arg2[%dma_start3A_127, %dma_start3A_128] : memref<10000x128xf32, #tpu.memory_space<hbm>> -> memref<10000x128xf32, #tpu.memory_space<hbm>>
            tpu.enqueue_indirect_dma source(%dma_start3A_129 : memref<10000x128xf32, #tpu.memory_space<hbm>>) target(%arg14 : memref<128x128xf32, #tpu.memory_space<vmem>>) offsets(%dma_start3A_126 : memref<128xi32, #tpu.memory_space<vmem>>) semaphore(%arg17 : memref<!tpu.dma_semaphore, #tpu.memory_space<semaphore_mem>>)
          } else {
          }
        } else {
        }
        %div3A_101 = arith.constant 16 : i32
        %div3A_102 = arith.divsi %add3A_66, %div3A_101 : i32
        %rem3A_103 = arith.constant 2 : i32
        %rem3A_104 = arith.remsi %div3A_102, %rem3A_103 : i32
        %eq3A_105 = arith.constant 1 : i32
        %eq3A_106 = arith.cmpi eq, %rem3A_104, %eq3A_105 : i32
        %convert_element_type3A_107 = arith.extui %eq3A_106 : i1 to i32
        %cond3A_108 = arith.constant 0 : i32
        %cond3A_109 = arith.cmpi ne, %convert_element_type3A_107, %cond3A_108 : i32
        scf.if %cond3A_109 {
          %rem3A_110 = arith.constant 2 : i32
          %rem3A_111 = arith.remsi %add3A_66, %rem3A_110 : i32
          %eq3A_112 = arith.constant 0 : i32
          %eq3A_113 = arith.cmpi eq, %rem3A_111, %eq3A_112 : i32
          %convert_element_type3A_114 = arith.extui %eq3A_113 : i1 to i32
          %cond3A_115 = arith.constant 0 : i32
          %cond3A_116 = arith.cmpi ne, %convert_element_type3A_114, %cond3A_115 : i32
          scf.if %cond3A_116 {
            %dma_start3A_124 = arith.constant 0 : i32
            %dma_start3A_125 = tpu.memref_slice %arg10[%rem3A_91, %dma_start3A_124] : memref<16x128xi32, #tpu.memory_space<vmem>> -> memref<1x128xi32, #tpu.memory_space<vmem>>
            %dma_start3A_126 = tpu.memref_squeeze %dma_start3A_125 : memref<1x128xi32, #tpu.memory_space<vmem>> -> memref<128xi32, #tpu.memory_space<vmem>>
            %dma_start3A_127 = arith.constant 0 : i32
            %dma_start3A_128 = arith.constant 0 : i32
            %dma_start3A_129 = tpu.memref_slice %arg2[%dma_start3A_127, %dma_start3A_128] : memref<10000x128xf32, #tpu.memory_space<hbm>> -> memref<10000x128xf32, #tpu.memory_space<hbm>>
            tpu.enqueue_indirect_dma source(%dma_start3A_129 : memref<10000x128xf32, #tpu.memory_space<hbm>>) target(%arg13 : memref<128x128xf32, #tpu.memory_space<vmem>>) offsets(%dma_start3A_126 : memref<128xi32, #tpu.memory_space<vmem>>) semaphore(%arg16 : memref<!tpu.dma_semaphore, #tpu.memory_space<semaphore_mem>>)
          } else {
          }
          %rem3A_117 = arith.constant 2 : i32
          %rem3A_118 = arith.remsi %add3A_66, %rem3A_117 : i32
          %eq3A_119 = arith.constant 1 : i32
          %eq3A_120 = arith.cmpi eq, %rem3A_118, %eq3A_119 : i32
          %convert_element_type3A_121 = arith.extui %eq3A_120 : i1 to i32
          %cond3A_122 = arith.constant 0 : i32
          %cond3A_123 = arith.cmpi ne, %convert_element_type3A_121, %cond3A_122 : i32
          scf.if %cond3A_123 {
            %dma_start3A_124 = arith.constant 0 : i32
            %dma_start3A_125 = tpu.memref_slice %arg10[%rem3A_91, %dma_start3A_124] : memref<16x128xi32, #tpu.memory_space<vmem>> -> memref<1x128xi32, #tpu.memory_space<vmem>>
            %dma_start3A_126 = tpu.memref_squeeze %dma_start3A_125 : memref<1x128xi32, #tpu.memory_space<vmem>> -> memref<128xi32, #tpu.memory_space<vmem>>
            %dma_start3A_127 = arith.constant 0 : i32
            %dma_start3A_128 = arith.constant 0 : i32
            %dma_start3A_129 = tpu.memref_slice %arg2[%dma_start3A_127, %dma_start3A_128] : memref<10000x128xf32, #tpu.memory_space<hbm>> -> memref<10000x128xf32, #tpu.memory_space<hbm>>
            tpu.enqueue_indirect_dma source(%dma_start3A_129 : memref<10000x128xf32, #tpu.memory_space<hbm>>) target(%arg14 : memref<128x128xf32, #tpu.memory_space<vmem>>) offsets(%dma_start3A_126 : memref<128xi32, #tpu.memory_space<vmem>>) semaphore(%arg17 : memref<!tpu.dma_semaphore, #tpu.memory_space<semaphore_mem>>)
          } else {
          }
        } else {
        }
      } else {
      }
      %rem3A_71 = arith.constant 16 : i32
      %rem3A_72 = arith.remsi %scan3A_54, %rem3A_71 : i32
      %div3A = arith.constant 16 : i32
      %div3A_73 = arith.divsi %scan3A_54, %div3A : i32
      %rem3A_74 = arith.constant 2 : i32
      %rem3A_75 = arith.remsi %div3A_73, %rem3A_74 : i32
      %eq3A_76 = arith.constant 0 : i32
      %eq3A_77 = arith.cmpi eq, %rem3A_75, %eq3A_76 : i32
      %convert_element_type3A_78 = arith.extui %eq3A_77 : i1 to i32
      %cond3A_79 = arith.constant 0 : i32
      %cond3A_80 = arith.cmpi ne, %convert_element_type3A_78, %cond3A_79 : i32
      scf.if %cond3A_80 {
        %rem3A_90 = arith.constant 2 : i32
        %rem3A_91 = arith.remsi %scan3A_54, %rem3A_90 : i32
        %eq3A_92 = arith.constant 0 : i32
        %eq3A_93 = arith.cmpi eq, %rem3A_91, %eq3A_92 : i32
        %convert_element_type3A_94 = arith.extui %eq3A_93 : i1 to i32
        %cond3A_95 = arith.constant 0 : i32
        %cond3A_96 = arith.cmpi ne, %convert_element_type3A_94, %cond3A_95 : i32
        scf.if %cond3A_96 {
          %dma_wait3A_104 = arith.constant 0 : i32
          %dma_wait3A_105 = tpu.memref_slice %arg9[%rem3A_72, %dma_wait3A_104] : memref<16x128xi32, #tpu.memory_space<vmem>> -> memref<1x128xi32, #tpu.memory_space<vmem>>
          %dma_wait3A_106 = tpu.memref_squeeze %dma_wait3A_105 : memref<1x128xi32, #tpu.memory_space<vmem>> -> memref<128xi32, #tpu.memory_space<vmem>>
          %dma_wait3A_107 = arith.constant 0 : i32
          %dma_wait3A_108 = arith.constant 0 : i32
          %dma_wait3A_109 = tpu.memref_slice %arg2[%dma_wait3A_107, %dma_wait3A_108] : memref<10000x128xf32, #tpu.memory_space<hbm>> -> memref<10000x128xf32, #tpu.memory_space<hbm>>
          tpu.wait_indirect_dma semaphore(%arg16 : memref<!tpu.dma_semaphore, #tpu.memory_space<semaphore_mem>>) src(%dma_wait3A_109 : memref<10000x128xf32, #tpu.memory_space<hbm>>) dst(%arg13 : memref<128x128xf32, #tpu.memory_space<vmem>>)
          "tpu.region"() ({
            %run_scoped3A = tpu.sem_alloc : memref<!tpu.dma_semaphore, #tpu.memory_space<semaphore_mem>>
            %dma_start3A_110 = arith.constant 0 : i32
            %dma_start3A_111 = tpu.memref_slice %arg11[%rem3A_72, %dma_start3A_110] : memref<16x128xi32, #tpu.memory_space<vmem>> -> memref<1x128xi32, #tpu.memory_space<vmem>>
            %dma_start3A_112 = tpu.memref_squeeze %dma_start3A_111 : memref<1x128xi32, #tpu.memory_space<vmem>> -> memref<128xi32, #tpu.memory_space<vmem>>
            %dma_start3A_113 = arith.constant 0 : i32
            %dma_start3A_114 = arith.constant 0 : i32
            %dma_start3A_115 = tpu.memref_slice %arg15[%dma_start3A_113, %dma_start3A_114] : memref<10112x128xf32, #tpu.memory_space<vmem_shared>> -> memref<10112x128xf32, #tpu.memory_space<vmem_shared>>
            tpu.enqueue_indirect_dma source(%arg13 : memref<128x128xf32, #tpu.memory_space<vmem>>) target(%dma_start3A_115 : memref<10112x128xf32, #tpu.memory_space<vmem_shared>>) offsets(%dma_start3A_112 : memref<128xi32, #tpu.memory_space<vmem>>) semaphore(%run_scoped3A : memref<!tpu.dma_semaphore, #tpu.memory_space<semaphore_mem>>) {add = true}
            %dma_wait3A_116 = arith.constant 0 : i32
            %dma_wait3A_117 = tpu.memref_slice %arg11[%rem3A_72, %dma_wait3A_116] : memref<16x128xi32, #tpu.memory_space<vmem>> -> memref<1x128xi32, #tpu.memory_space<vmem>>
            %dma_wait3A_118 = tpu.memref_squeeze %dma_wait3A_117 : memref<1x128xi32, #tpu.memory_space<vmem>> -> memref<128xi32, #tpu.memory_space<vmem>>
            %dma_wait3A_119 = arith.constant 0 : i32
            %dma_wait3A_120 = arith.constant 0 : i32
            %dma_wait3A_121 = tpu.memref_slice %arg15[%dma_wait3A_119, %dma_wait3A_120] : memref<10112x128xf32, #tpu.memory_space<vmem_shared>> -> memref<10112x128xf32, #tpu.memory_space<vmem_shared>>
            tpu.wait_indirect_dma semaphore(%run_scoped3A : memref<!tpu.dma_semaphore, #tpu.memory_space<semaphore_mem>>) src(%arg13 : memref<128x128xf32, #tpu.memory_space<vmem>>) dst(%dma_wait3A_121 : memref<10112x128xf32, #tpu.memory_space<vmem_shared>>)
            tpu.yield
          }) : () -> ()
        } else {
        }
        %rem3A_97 = arith.constant 2 : i32
        %rem3A_98 = arith.remsi %scan3A_54, %rem3A_97 : i32
        %eq3A_99 = arith.constant 1 : i32
        %eq3A_100 = arith.cmpi eq, %rem3A_98, %eq3A_99 : i32
        %convert_element_type3A_101 = arith.extui %eq3A_100 : i1 to i32
        %cond3A_102 = arith.constant 0 : i32
        %cond3A_103 = arith.cmpi ne, %convert_element_type3A_101, %cond3A_102 : i32
        scf.if %cond3A_103 {
          %dma_wait3A_104 = arith.constant 0 : i32
          %dma_wait3A_105 = tpu.memref_slice %arg9[%rem3A_72, %dma_wait3A_104] : memref<16x128xi32, #tpu.memory_space<vmem>> -> memref<1x128xi32, #tpu.memory_space<vmem>>
          %dma_wait3A_106 = tpu.memref_squeeze %dma_wait3A_105 : memref<1x128xi32, #tpu.memory_space<vmem>> -> memref<128xi32, #tpu.memory_space<vmem>>
          %dma_wait3A_107 = arith.constant 0 : i32
          %dma_wait3A_108 = arith.constant 0 : i32
          %dma_wait3A_109 = tpu.memref_slice %arg2[%dma_wait3A_107, %dma_wait3A_108] : memref<10000x128xf32, #tpu.memory_space<hbm>> -> memref<10000x128xf32, #tpu.memory_space<hbm>>
          tpu.wait_indirect_dma semaphore(%arg17 : memref<!tpu.dma_semaphore, #tpu.memory_space<semaphore_mem>>) src(%dma_wait3A_109 : memref<10000x128xf32, #tpu.memory_space<hbm>>) dst(%arg14 : memref<128x128xf32, #tpu.memory_space<vmem>>)
          "tpu.region"() ({
            %run_scoped3A = tpu.sem_alloc : memref<!tpu.dma_semaphore, #tpu.memory_space<semaphore_mem>>
            %dma_start3A_110 = arith.constant 0 : i32
            %dma_start3A_111 = tpu.memref_slice %arg11[%rem3A_72, %dma_start3A_110] : memref<16x128xi32, #tpu.memory_space<vmem>> -> memref<1x128xi32, #tpu.memory_space<vmem>>
            %dma_start3A_112 = tpu.memref_squeeze %dma_start3A_111 : memref<1x128xi32, #tpu.memory_space<vmem>> -> memref<128xi32, #tpu.memory_space<vmem>>
            %dma_start3A_113 = arith.constant 0 : i32
            %dma_start3A_114 = arith.constant 0 : i32
            %dma_start3A_115 = tpu.memref_slice %arg15[%dma_start3A_113, %dma_start3A_114] : memref<10112x128xf32, #tpu.memory_space<vmem_shared>> -> memref<10112x128xf32, #tpu.memory_space<vmem_shared>>
            tpu.enqueue_indirect_dma source(%arg14 : memref<128x128xf32, #tpu.memory_space<vmem>>) target(%dma_start3A_115 : memref<10112x128xf32, #tpu.memory_space<vmem_shared>>) offsets(%dma_start3A_112 : memref<128xi32, #tpu.memory_space<vmem>>) semaphore(%run_scoped3A : memref<!tpu.dma_semaphore, #tpu.memory_space<semaphore_mem>>) {add = true}
            %dma_wait3A_116 = arith.constant 0 : i32
            %dma_wait3A_117 = tpu.memref_slice %arg11[%rem3A_72, %dma_wait3A_116] : memref<16x128xi32, #tpu.memory_space<vmem>> -> memref<1x128xi32, #tpu.memory_space<vmem>>
            %dma_wait3A_118 = tpu.memref_squeeze %dma_wait3A_117 : memref<1x128xi32, #tpu.memory_space<vmem>> -> memref<128xi32, #tpu.memory_space<vmem>>
            %dma_wait3A_119 = arith.constant 0 : i32
            %dma_wait3A_120 = arith.constant 0 : i32
            %dma_wait3A_121 = tpu.memref_slice %arg15[%dma_wait3A_119, %dma_wait3A_120] : memref<10112x128xf32, #tpu.memory_space<vmem_shared>> -> memref<10112x128xf32, #tpu.memory_space<vmem_shared>>
            tpu.wait_indirect_dma semaphore(%run_scoped3A : memref<!tpu.dma_semaphore, #tpu.memory_space<semaphore_mem>>) src(%arg14 : memref<128x128xf32, #tpu.memory_space<vmem>>) dst(%dma_wait3A_121 : memref<10112x128xf32, #tpu.memory_space<vmem_shared>>)
            tpu.yield
          }) : () -> ()
        } else {
        }
      } else {
      }
      %div3A_81 = arith.constant 16 : i32
      %div3A_82 = arith.divsi %scan3A_54, %div3A_81 : i32
      %rem3A_83 = arith.constant 2 : i32
      %rem3A_84 = arith.remsi %div3A_82, %rem3A_83 : i32
      %eq3A_85 = arith.constant 1 : i32
      %eq3A_86 = arith.cmpi eq, %rem3A_84, %eq3A_85 : i32
      %convert_element_type3A_87 = arith.extui %eq3A_86 : i1 to i32
      %cond3A_88 = arith.constant 0 : i32
      %cond3A_89 = arith.cmpi ne, %convert_element_type3A_87, %cond3A_88 : i32
      scf.if %cond3A_89 {
        %rem3A_90 = arith.constant 2 : i32
        %rem3A_91 = arith.remsi %scan3A_54, %rem3A_90 : i32
        %eq3A_92 = arith.constant 0 : i32
        %eq3A_93 = arith.cmpi eq, %rem3A_91, %eq3A_92 : i32
        %convert_element_type3A_94 = arith.extui %eq3A_93 : i1 to i32
        %cond3A_95 = arith.constant 0 : i32
        %cond3A_96 = arith.cmpi ne, %convert_element_type3A_94, %cond3A_95 : i32
        scf.if %cond3A_96 {
          %dma_wait3A_104 = arith.constant 0 : i32
          %dma_wait3A_105 = tpu.memref_slice %arg10[%rem3A_72, %dma_wait3A_104] : memref<16x128xi32, #tpu.memory_space<vmem>> -> memref<1x128xi32, #tpu.memory_space<vmem>>
          %dma_wait3A_106 = tpu.memref_squeeze %dma_wait3A_105 : memref<1x128xi32, #tpu.memory_space<vmem>> -> memref<128xi32, #tpu.memory_space<vmem>>
          %dma_wait3A_107 = arith.constant 0 : i32
          %dma_wait3A_108 = arith.constant 0 : i32
          %dma_wait3A_109 = tpu.memref_slice %arg2[%dma_wait3A_107, %dma_wait3A_108] : memref<10000x128xf32, #tpu.memory_space<hbm>> -> memref<10000x128xf32, #tpu.memory_space<hbm>>
          tpu.wait_indirect_dma semaphore(%arg16 : memref<!tpu.dma_semaphore, #tpu.memory_space<semaphore_mem>>) src(%dma_wait3A_109 : memref<10000x128xf32, #tpu.memory_space<hbm>>) dst(%arg13 : memref<128x128xf32, #tpu.memory_space<vmem>>)
          "tpu.region"() ({
            %run_scoped3A = tpu.sem_alloc : memref<!tpu.dma_semaphore, #tpu.memory_space<semaphore_mem>>
            %dma_start3A_110 = arith.constant 0 : i32
            %dma_start3A_111 = tpu.memref_slice %arg12[%rem3A_72, %dma_start3A_110] : memref<16x128xi32, #tpu.memory_space<vmem>> -> memref<1x128xi32, #tpu.memory_space<vmem>>
            %dma_start3A_112 = tpu.memref_squeeze %dma_start3A_111 : memref<1x128xi32, #tpu.memory_space<vmem>> -> memref<128xi32, #tpu.memory_space<vmem>>
            %dma_start3A_113 = arith.constant 0 : i32
            %dma_start3A_114 = arith.constant 0 : i32
            %dma_start3A_115 = tpu.memref_slice %arg15[%dma_start3A_113, %dma_start3A_114] : memref<10112x128xf32, #tpu.memory_space<vmem_shared>> -> memref<10112x128xf32, #tpu.memory_space<vmem_shared>>
            tpu.enqueue_indirect_dma source(%arg13 : memref<128x128xf32, #tpu.memory_space<vmem>>) target(%dma_start3A_115 : memref<10112x128xf32, #tpu.memory_space<vmem_shared>>) offsets(%dma_start3A_112 : memref<128xi32, #tpu.memory_space<vmem>>) semaphore(%run_scoped3A : memref<!tpu.dma_semaphore, #tpu.memory_space<semaphore_mem>>) {add = true}
            %dma_wait3A_116 = arith.constant 0 : i32
            %dma_wait3A_117 = tpu.memref_slice %arg12[%rem3A_72, %dma_wait3A_116] : memref<16x128xi32, #tpu.memory_space<vmem>> -> memref<1x128xi32, #tpu.memory_space<vmem>>
            %dma_wait3A_118 = tpu.memref_squeeze %dma_wait3A_117 : memref<1x128xi32, #tpu.memory_space<vmem>> -> memref<128xi32, #tpu.memory_space<vmem>>
            %dma_wait3A_119 = arith.constant 0 : i32
            %dma_wait3A_120 = arith.constant 0 : i32
            %dma_wait3A_121 = tpu.memref_slice %arg15[%dma_wait3A_119, %dma_wait3A_120] : memref<10112x128xf32, #tpu.memory_space<vmem_shared>> -> memref<10112x128xf32, #tpu.memory_space<vmem_shared>>
            tpu.wait_indirect_dma semaphore(%run_scoped3A : memref<!tpu.dma_semaphore, #tpu.memory_space<semaphore_mem>>) src(%arg13 : memref<128x128xf32, #tpu.memory_space<vmem>>) dst(%dma_wait3A_121 : memref<10112x128xf32, #tpu.memory_space<vmem_shared>>)
            tpu.yield
          }) : () -> ()
        } else {
        }
        %rem3A_97 = arith.constant 2 : i32
        %rem3A_98 = arith.remsi %scan3A_54, %rem3A_97 : i32
        %eq3A_99 = arith.constant 1 : i32
        %eq3A_100 = arith.cmpi eq, %rem3A_98, %eq3A_99 : i32
        %convert_element_type3A_101 = arith.extui %eq3A_100 : i1 to i32
        %cond3A_102 = arith.constant 0 : i32
        %cond3A_103 = arith.cmpi ne, %convert_element_type3A_101, %cond3A_102 : i32
        scf.if %cond3A_103 {
          %dma_wait3A_104 = arith.constant 0 : i32
          %dma_wait3A_105 = tpu.memref_slice %arg10[%rem3A_72, %dma_wait3A_104] : memref<16x128xi32, #tpu.memory_space<vmem>> -> memref<1x128xi32, #tpu.memory_space<vmem>>
          %dma_wait3A_106 = tpu.memref_squeeze %dma_wait3A_105 : memref<1x128xi32, #tpu.memory_space<vmem>> -> memref<128xi32, #tpu.memory_space<vmem>>
          %dma_wait3A_107 = arith.constant 0 : i32
          %dma_wait3A_108 = arith.constant 0 : i32
          %dma_wait3A_109 = tpu.memref_slice %arg2[%dma_wait3A_107, %dma_wait3A_108] : memref<10000x128xf32, #tpu.memory_space<hbm>> -> memref<10000x128xf32, #tpu.memory_space<hbm>>
          tpu.wait_indirect_dma semaphore(%arg17 : memref<!tpu.dma_semaphore, #tpu.memory_space<semaphore_mem>>) src(%dma_wait3A_109 : memref<10000x128xf32, #tpu.memory_space<hbm>>) dst(%arg14 : memref<128x128xf32, #tpu.memory_space<vmem>>)
          "tpu.region"() ({
            %run_scoped3A = tpu.sem_alloc : memref<!tpu.dma_semaphore, #tpu.memory_space<semaphore_mem>>
            %dma_start3A_110 = arith.constant 0 : i32
            %dma_start3A_111 = tpu.memref_slice %arg12[%rem3A_72, %dma_start3A_110] : memref<16x128xi32, #tpu.memory_space<vmem>> -> memref<1x128xi32, #tpu.memory_space<vmem>>
            %dma_start3A_112 = tpu.memref_squeeze %dma_start3A_111 : memref<1x128xi32, #tpu.memory_space<vmem>> -> memref<128xi32, #tpu.memory_space<vmem>>
            %dma_start3A_113 = arith.constant 0 : i32
            %dma_start3A_114 = arith.constant 0 : i32
            %dma_start3A_115 = tpu.memref_slice %arg15[%dma_start3A_113, %dma_start3A_114] : memref<10112x128xf32, #tpu.memory_space<vmem_shared>> -> memref<10112x128xf32, #tpu.memory_space<vmem_shared>>
            tpu.enqueue_indirect_dma source(%arg14 : memref<128x128xf32, #tpu.memory_space<vmem>>) target(%dma_start3A_115 : memref<10112x128xf32, #tpu.memory_space<vmem_shared>>) offsets(%dma_start3A_112 : memref<128xi32, #tpu.memory_space<vmem>>) semaphore(%run_scoped3A : memref<!tpu.dma_semaphore, #tpu.memory_space<semaphore_mem>>) {add = true}
            %dma_wait3A_116 = arith.constant 0 : i32
            %dma_wait3A_117 = tpu.memref_slice %arg12[%rem3A_72, %dma_wait3A_116] : memref<16x128xi32, #tpu.memory_space<vmem>> -> memref<1x128xi32, #tpu.memory_space<vmem>>
            %dma_wait3A_118 = tpu.memref_squeeze %dma_wait3A_117 : memref<1x128xi32, #tpu.memory_space<vmem>> -> memref<128xi32, #tpu.memory_space<vmem>>
            %dma_wait3A_119 = arith.constant 0 : i32
            %dma_wait3A_120 = arith.constant 0 : i32
            %dma_wait3A_121 = tpu.memref_slice %arg15[%dma_wait3A_119, %dma_wait3A_120] : memref<10112x128xf32, #tpu.memory_space<vmem_shared>> -> memref<10112x128xf32, #tpu.memory_space<vmem_shared>>
            tpu.wait_indirect_dma semaphore(%run_scoped3A : memref<!tpu.dma_semaphore, #tpu.memory_space<semaphore_mem>>) src(%arg14 : memref<128x128xf32, #tpu.memory_space<vmem>>) dst(%dma_wait3A_121 : memref<10112x128xf32, #tpu.memory_space<vmem_shared>>)
            tpu.yield
          }) : () -> ()
        } else {
        }
      } else {
      }
    }
    %scan3A_44 = arith.constant 80 : i32
    %barrier3A_45 = arith.constant 0 : index
    tpu.barrier barrier_id(%barrier3A_45)
    "tpu.region"() ({
      %run_scoped3A = tpu.sem_alloc : memref<!tpu.dma_semaphore, #tpu.memory_space<semaphore_mem>>
      %dma_start3A_54 = arith.constant 0 : i32
      %dma_start3A_55 = tpu.memref_slice %arg7[%arg0, %mul3A_2, %dma_start3A_54] : memref<2x10112x128xf32, #tpu.memory_space<hbm>> -> memref<1x632x128xf32, #tpu.memory_space<hbm>>
      %dma_start3A_56 = tpu.memref_squeeze %dma_start3A_55 : memref<1x632x128xf32, #tpu.memory_space<hbm>> -> memref<632x128xf32, #tpu.memory_space<hbm>>
      %dma_start3A_57 = arith.constant 0 : i32
      %dma_start3A_58 = tpu.memref_slice %arg15[%mul3A_2, %dma_start3A_57] : memref<10112x128xf32, #tpu.memory_space<vmem_shared>> -> memref<632x128xf32, #tpu.memory_space<vmem_shared>>
      tpu.enqueue_dma source(%dma_start3A_58 : memref<632x128xf32, #tpu.memory_space<vmem_shared>>) target(%dma_start3A_56 : memref<632x128xf32, #tpu.memory_space<hbm>>) target_semaphore(%run_scoped3A : memref<!tpu.dma_semaphore, #tpu.memory_space<semaphore_mem>>)
      %dma_wait3A_59 = arith.constant 0 : i32
      %dma_wait3A_60 = tpu.memref_slice %arg7[%arg0, %mul3A_2, %dma_wait3A_59] : memref<2x10112x128xf32, #tpu.memory_space<hbm>> -> memref<1x632x128xf32, #tpu.memory_space<hbm>>
      %dma_wait3A_61 = tpu.memref_squeeze %dma_wait3A_60 : memref<1x632x128xf32, #tpu.memory_space<hbm>> -> memref<632x128xf32, #tpu.memory_space<hbm>>
      %dma_wait3A_62 = arith.constant 0 : i32
      %dma_wait3A_63 = tpu.memref_slice %arg15[%mul3A_2, %dma_wait3A_62] : memref<10112x128xf32, #tpu.memory_space<vmem_shared>> -> memref<632x128xf32, #tpu.memory_space<vmem_shared>>
      tpu.wait_dma2 semaphore(%run_scoped3A : memref<!tpu.dma_semaphore, #tpu.memory_space<semaphore_mem>>) src(%dma_wait3A_63 : memref<632x128xf32, #tpu.memory_space<vmem_shared>>) dst(%dma_wait3A_61 : memref<632x128xf32, #tpu.memory_space<hbm>>)
      tpu.yield
    }) : () -> ()
    "tpu.region"() ({
      %run_scoped3A = tpu.sem_alloc : memref<!tpu.dma_semaphore, #tpu.memory_space<semaphore_mem>>
      %dma_start3A_54 = arith.constant 0 : i32
      %dma_start3A_55 = tpu.memref_slice %arg15[%mul3A_2, %dma_start3A_54] : memref<10112x128xf32, #tpu.memory_space<vmem_shared>> -> memref<632x128xf32, #tpu.memory_space<vmem_shared>>
      %dma_start3A_56 = arith.constant 0 : i32
      %dma_start3A_57 = arith.constant 0 : i32
      %dma_start3A_58 = tpu.memref_slice %arg5[%dma_start3A_56, %dma_start3A_57] : memref<632x128xf32, #tpu.memory_space<hbm>> -> memref<632x128xf32, #tpu.memory_space<hbm>>
      tpu.enqueue_dma source(%dma_start3A_58 : memref<632x128xf32, #tpu.memory_space<hbm>>) target(%dma_start3A_55 : memref<632x128xf32, #tpu.memory_space<vmem_shared>>) target_semaphore(%run_scoped3A : memref<!tpu.dma_semaphore, #tpu.memory_space<semaphore_mem>>)
      %dma_wait3A_59 = arith.constant 0 : i32
      %dma_wait3A_60 = tpu.memref_slice %arg15[%mul3A_2, %dma_wait3A_59] : memref<10112x128xf32, #tpu.memory_space<vmem_shared>> -> memref<632x128xf32, #tpu.memory_space<vmem_shared>>
      %dma_wait3A_61 = arith.constant 0 : i32
      %dma_wait3A_62 = arith.constant 0 : i32
      %dma_wait3A_63 = tpu.memref_slice %arg5[%dma_wait3A_61, %dma_wait3A_62] : memref<632x128xf32, #tpu.memory_space<hbm>> -> memref<632x128xf32, #tpu.memory_space<hbm>>
      tpu.wait_dma2 semaphore(%run_scoped3A : memref<!tpu.dma_semaphore, #tpu.memory_space<semaphore_mem>>) src(%dma_wait3A_63 : memref<632x128xf32, #tpu.memory_space<hbm>>) dst(%dma_wait3A_60 : memref<632x128xf32, #tpu.memory_space<vmem_shared>>)
      tpu.yield
    }) : () -> ()
    "tpu.region"() ({
      %run_scoped3A = tpu.sem_alloc : memref<!tpu.dma_semaphore, #tpu.memory_space<semaphore_mem>>
      tpu.enqueue_dma source(%arg6 : memref<128x128xf32, #tpu.memory_space<hbm>>) target(%arg13 : memref<128x128xf32, #tpu.memory_space<vmem>>) target_semaphore(%run_scoped3A : memref<!tpu.dma_semaphore, #tpu.memory_space<semaphore_mem>>)
      tpu.wait_dma2 semaphore(%run_scoped3A : memref<!tpu.dma_semaphore, #tpu.memory_space<semaphore_mem>>) src(%arg6 : memref<128x128xf32, #tpu.memory_space<hbm>>) dst(%arg13 : memref<128x128xf32, #tpu.memory_space<vmem>>)
      tpu.yield
    }) : () -> ()
    %barrier3A_46 = arith.constant 0 : index
    tpu.barrier barrier_id(%barrier3A_46)
    %scan3A_47 = arith.constant 0 : i32
    %scan3A_48 = arith.constant 0 : i32
    %scan3A_49 = arith.constant 80 : i32
    %scan3A_50 = arith.addi %scan3A_48, %scan3A_49 : i32
    %scan3A_51 = arith.constant 1 : i32
    scf.for %scan3A_54 = %scan3A_48 to %scan3A_50 step %scan3A_51  : i32 {
      %rem3A = arith.constant 16 : i32
      %rem3A_55 = arith.remsi %scan3A_54, %rem3A : i32
      %eq3A = arith.constant 0 : i32
      %eq3A_56 = arith.cmpi eq, %rem3A_55, %eq3A : i32
      %convert_element_type3A = arith.extui %eq3A_56 : i1 to i32
      %cond3A = arith.constant 0 : i32
      %cond3A_57 = arith.cmpi ne, %convert_element_type3A, %cond3A : i32
      scf.if %cond3A_57 {
        %div3A = arith.constant 16 : i32
        %div3A_60 = arith.divsi %scan3A_54, %div3A : i32
        %mul3A_61 = arith.constant 16 : i32
        %mul3A_62 = arith.muli %div3A_60, %mul3A_61 : i32
        "tpu.region"() ({
          %run_scoped3A = tpu.sem_alloc : memref<!tpu.dma_semaphore, #tpu.memory_space<semaphore_mem>>
          %dma_start3A_63 = arith.constant 0 : i32
          %dma_start3A_64 = tpu.memref_slice %arg4[%add3A, %mul3A_62, %dma_start3A_63] : memref<32x80x128xi32, #tpu.memory_space<hbm>> -> memref<1x16x128xi32, #tpu.memory_space<hbm>>
          %dma_start3A_65 = tpu.memref_squeeze %dma_start3A_64 : memref<1x16x128xi32, #tpu.memory_space<hbm>> -> memref<16x128xi32, #tpu.memory_space<hbm>>
          %dma_start3A_66 = arith.constant 0 : i32
          %dma_start3A_67 = tpu.memref_slice %arg4[%add3A, %mul3A_62, %dma_start3A_66] : memref<32x80x128xi32, #tpu.memory_space<hbm>> -> memref<1x16x128xi32, #tpu.memory_space<hbm>>
          %dma_start3A_68 = tpu.memref_squeeze %dma_start3A_67 : memref<1x16x128xi32, #tpu.memory_space<hbm>> -> memref<16x128xi32, #tpu.memory_space<hbm>>
          tpu.enqueue_dma source(%dma_start3A_68 : memref<16x128xi32, #tpu.memory_space<hbm>>) target(%arg11 : memref<16x128xi32, #tpu.memory_space<vmem>>) target_semaphore(%run_scoped3A : memref<!tpu.dma_semaphore, #tpu.memory_space<semaphore_mem>>)
          %dma_wait3A_69 = arith.constant 0 : i32
          %dma_wait3A_70 = tpu.memref_slice %arg4[%add3A, %mul3A_62, %dma_wait3A_69] : memref<32x80x128xi32, #tpu.memory_space<hbm>> -> memref<1x16x128xi32, #tpu.memory_space<hbm>>
          %dma_wait3A_71 = tpu.memref_squeeze %dma_wait3A_70 : memref<1x16x128xi32, #tpu.memory_space<hbm>> -> memref<16x128xi32, #tpu.memory_space<hbm>>
          %dma_wait3A_72 = arith.constant 0 : i32
          %dma_wait3A_73 = tpu.memref_slice %arg4[%add3A, %mul3A_62, %dma_wait3A_72] : memref<32x80x128xi32, #tpu.memory_space<hbm>> -> memref<1x16x128xi32, #tpu.memory_space<hbm>>
          %dma_wait3A_74 = tpu.memref_squeeze %dma_wait3A_73 : memref<1x16x128xi32, #tpu.memory_space<hbm>> -> memref<16x128xi32, #tpu.memory_space<hbm>>
          tpu.wait_dma2 semaphore(%run_scoped3A : memref<!tpu.dma_semaphore, #tpu.memory_space<semaphore_mem>>) src(%dma_wait3A_74 : memref<16x128xi32, #tpu.memory_space<hbm>>) dst(%arg11 : memref<16x128xi32, #tpu.memory_space<vmem>>)
          tpu.yield
        }) : () -> ()
      } else {
      }
      %rem3A_58 = arith.constant 16 : i32
      %rem3A_59 = arith.remsi %scan3A_54, %rem3A_58 : i32
      "tpu.region"() ({
        %run_scoped3A = tpu.sem_alloc : memref<!tpu.dma_semaphore, #tpu.memory_space<semaphore_mem>>
        %dma_start3A_60 = arith.constant 0 : i32
        %dma_start3A_61 = tpu.memref_slice %arg11[%rem3A_59, %dma_start3A_60] : memref<16x128xi32, #tpu.memory_space<vmem>> -> memref<1x128xi32, #tpu.memory_space<vmem>>
        %dma_start3A_62 = tpu.memref_squeeze %dma_start3A_61 : memref<1x128xi32, #tpu.memory_space<vmem>> -> memref<128xi32, #tpu.memory_space<vmem>>
        %dma_start3A_63 = arith.constant 0 : i32
        %dma_start3A_64 = arith.constant 0 : i32
        %dma_start3A_65 = tpu.memref_slice %arg15[%dma_start3A_63, %dma_start3A_64] : memref<10112x128xf32, #tpu.memory_space<vmem_shared>> -> memref<10112x128xf32, #tpu.memory_space<vmem_shared>>
        tpu.enqueue_indirect_dma source(%arg13 : memref<128x128xf32, #tpu.memory_space<vmem>>) target(%dma_start3A_65 : memref<10112x128xf32, #tpu.memory_space<vmem_shared>>) offsets(%dma_start3A_62 : memref<128xi32, #tpu.memory_space<vmem>>) semaphore(%run_scoped3A : memref<!tpu.dma_semaphore, #tpu.memory_space<semaphore_mem>>) {add = true}
        %dma_wait3A_66 = arith.constant 0 : i32
        %dma_wait3A_67 = tpu.memref_slice %arg11[%rem3A_59, %dma_wait3A_66] : memref<16x128xi32, #tpu.memory_space<vmem>> -> memref<1x128xi32, #tpu.memory_space<vmem>>
        %dma_wait3A_68 = tpu.memref_squeeze %dma_wait3A_67 : memref<1x128xi32, #tpu.memory_space<vmem>> -> memref<128xi32, #tpu.memory_space<vmem>>
        %dma_wait3A_69 = arith.constant 0 : i32
        %dma_wait3A_70 = arith.constant 0 : i32
        %dma_wait3A_71 = tpu.memref_slice %arg15[%dma_wait3A_69, %dma_wait3A_70] : memref<10112x128xf32, #tpu.memory_space<vmem_shared>> -> memref<10112x128xf32, #tpu.memory_space<vmem_shared>>
        tpu.wait_indirect_dma semaphore(%run_scoped3A : memref<!tpu.dma_semaphore, #tpu.memory_space<semaphore_mem>>) src(%arg13 : memref<128x128xf32, #tpu.memory_space<vmem>>) dst(%dma_wait3A_71 : memref<10112x128xf32, #tpu.memory_space<vmem_shared>>)
        tpu.yield
      }) : () -> ()
    }
    %scan3A_52 = arith.constant 80 : i32
    %barrier3A_53 = arith.constant 0 : index
    tpu.barrier barrier_id(%barrier3A_53)
    "tpu.region"() ({
      %run_scoped3A = tpu.sem_alloc : memref<!tpu.dma_semaphore, #tpu.memory_space<semaphore_mem>>
      %dma_start3A_54 = arith.constant 0 : i32
      %dma_start3A_55 = tpu.memref_slice %arg8[%arg0, %mul3A_2, %dma_start3A_54] : memref<2x10112x128xf32, #tpu.memory_space<hbm>> -> memref<1x632x128xf32, #tpu.memory_space<hbm>>
      %dma_start3A_56 = tpu.memref_squeeze %dma_start3A_55 : memref<1x632x128xf32, #tpu.memory_space<hbm>> -> memref<632x128xf32, #tpu.memory_space<hbm>>
      %dma_start3A_57 = arith.constant 0 : i32
      %dma_start3A_58 = tpu.memref_slice %arg15[%mul3A_2, %dma_start3A_57] : memref<10112x128xf32, #tpu.memory_space<vmem_shared>> -> memref<632x128xf32, #tpu.memory_space<vmem_shared>>
      tpu.enqueue_dma source(%dma_start3A_58 : memref<632x128xf32, #tpu.memory_space<vmem_shared>>) target(%dma_start3A_56 : memref<632x128xf32, #tpu.memory_space<hbm>>) target_semaphore(%run_scoped3A : memref<!tpu.dma_semaphore, #tpu.memory_space<semaphore_mem>>)
      %dma_wait3A_59 = arith.constant 0 : i32
      %dma_wait3A_60 = tpu.memref_slice %arg8[%arg0, %mul3A_2, %dma_wait3A_59] : memref<2x10112x128xf32, #tpu.memory_space<hbm>> -> memref<1x632x128xf32, #tpu.memory_space<hbm>>
      %dma_wait3A_61 = tpu.memref_squeeze %dma_wait3A_60 : memref<1x632x128xf32, #tpu.memory_space<hbm>> -> memref<632x128xf32, #tpu.memory_space<hbm>>
      %dma_wait3A_62 = arith.constant 0 : i32
      %dma_wait3A_63 = tpu.memref_slice %arg15[%mul3A_2, %dma_wait3A_62] : memref<10112x128xf32, #tpu.memory_space<vmem_shared>> -> memref<632x128xf32, #tpu.memory_space<vmem_shared>>
      tpu.wait_dma2 semaphore(%run_scoped3A : memref<!tpu.dma_semaphore, #tpu.memory_space<semaphore_mem>>) src(%dma_wait3A_63 : memref<632x128xf32, #tpu.memory_space<vmem_shared>>) dst(%dma_wait3A_61 : memref<632x128xf32, #tpu.memory_space<hbm>>)
      tpu.yield
    }) : () -> ()
    return
  }
}

#map = affine_map<(d0, d1) -> (0, 0)>
#map1 = affine_map<(d0, d1) -> (0, 0, 0)>
module attributes {stable_mosaic.version = 14 : i64} {
  func.func @seg(%arg0: i32, %arg1: i32, %arg2: memref<10000x128xf32, #tpu.memory_space<hbm>>, %arg3: memref<32x80x128xi32, #tpu.memory_space<hbm>>, %arg4: memref<32x80x128xi32, #tpu.memory_space<hbm>>, %arg5: memref<632x128xf32, #tpu.memory_space<hbm>>, %arg6: memref<2x10112x128xf32, #tpu.memory_space<hbm>>, %arg7: memref<16x128xi32, #tpu.memory_space<vmem>>, %arg8: memref<16x128xi32, #tpu.memory_space<vmem>>, %arg9: memref<16x128xi32, #tpu.memory_space<vmem>>, %arg10: memref<16x128xi32, #tpu.memory_space<vmem>>, %arg11: memref<128x128xf32, #tpu.memory_space<vmem>>, %arg12: memref<128x128xf32, #tpu.memory_space<vmem>>, %arg13: memref<10112x128xf32, #tpu.memory_space<vmem_shared>>, %arg14: memref<!tpu.dma_semaphore, #tpu.memory_space<semaphore_mem>>, %arg15: memref<!tpu.dma_semaphore, #tpu.memory_space<semaphore_mem>>, %arg16: memref<!tpu.dma_semaphore, #tpu.memory_space<semaphore_mem>>, %arg17: memref<!tpu.dma_semaphore, #tpu.memory_space<semaphore_mem>>) attributes {dimension_semantics = [#tpu.dimension_semantics<core_parallel>, #tpu.dimension_semantics<subcore_parallel>], iteration_bounds = array<i64: 2, 16>, scalar_prefetch = 0 : i64, scratch_operands = 11 : i64, tpu.core_type = #tpu.core_type<sc_vector_subcore>, window_params = [{transform_indices = #map}, {transform_indices = #map1}, {transform_indices = #map1}, {transform_indices = #map}, {transform_indices = #map1}]} {
    %mul3A = arith.constant 2 : i32
    %mul3A_0 = arith.muli %arg1, %mul3A : i32
    %add3A = arith.addi %mul3A_0, %arg0 : i32
    %mul3A_1 = arith.constant 632 : i32
    %mul3A_2 = arith.muli %arg1, %mul3A_1 : i32
    "tpu.region"() ({
      %run_scoped3A = tpu.sem_alloc : memref<!tpu.dma_semaphore, #tpu.memory_space<semaphore_mem>>
      %dma_start3A_46 = arith.constant 0 : i32
      %dma_start3A_47 = tpu.memref_slice %arg13[%mul3A_2, %dma_start3A_46] : memref<10112x128xf32, #tpu.memory_space<vmem_shared>> -> memref<632x128xf32, #tpu.memory_space<vmem_shared>>
      %dma_start3A_48 = arith.constant 0 : i32
      %dma_start3A_49 = arith.constant 0 : i32
      %dma_start3A_50 = tpu.memref_slice %arg5[%dma_start3A_48, %dma_start3A_49] : memref<632x128xf32, #tpu.memory_space<hbm>> -> memref<632x128xf32, #tpu.memory_space<hbm>>
      tpu.enqueue_dma source(%dma_start3A_50 : memref<632x128xf32, #tpu.memory_space<hbm>>) target(%dma_start3A_47 : memref<632x128xf32, #tpu.memory_space<vmem_shared>>) target_semaphore(%run_scoped3A : memref<!tpu.dma_semaphore, #tpu.memory_space<semaphore_mem>>)
      %dma_wait3A_51 = arith.constant 0 : i32
      %dma_wait3A_52 = tpu.memref_slice %arg13[%mul3A_2, %dma_wait3A_51] : memref<10112x128xf32, #tpu.memory_space<vmem_shared>> -> memref<632x128xf32, #tpu.memory_space<vmem_shared>>
      %dma_wait3A_53 = arith.constant 0 : i32
      %dma_wait3A_54 = arith.constant 0 : i32
      %dma_wait3A_55 = tpu.memref_slice %arg5[%dma_wait3A_53, %dma_wait3A_54] : memref<632x128xf32, #tpu.memory_space<hbm>> -> memref<632x128xf32, #tpu.memory_space<hbm>>
      tpu.wait_dma2 semaphore(%run_scoped3A : memref<!tpu.dma_semaphore, #tpu.memory_space<semaphore_mem>>) src(%dma_wait3A_55 : memref<632x128xf32, #tpu.memory_space<hbm>>) dst(%dma_wait3A_52 : memref<632x128xf32, #tpu.memory_space<vmem_shared>>)
      tpu.yield
    }) : () -> ()
    %dma_start3A = arith.constant 0 : i32
    %dma_start3A_3 = arith.constant 0 : i32
    %dma_start3A_4 = tpu.memref_slice %arg3[%add3A, %dma_start3A, %dma_start3A_3] : memref<32x80x128xi32, #tpu.memory_space<hbm>> -> memref<1x16x128xi32, #tpu.memory_space<hbm>>
    %dma_start3A_5 = tpu.memref_squeeze %dma_start3A_4 : memref<1x16x128xi32, #tpu.memory_space<hbm>> -> memref<16x128xi32, #tpu.memory_space<hbm>>
    %dma_start3A_6 = arith.constant 0 : i32
    %dma_start3A_7 = arith.constant 0 : i32
    %dma_start3A_8 = tpu.memref_slice %arg3[%add3A, %dma_start3A_6, %dma_start3A_7] : memref<32x80x128xi32, #tpu.memory_space<hbm>> -> memref<1x16x128xi32, #tpu.memory_space<hbm>>
    %dma_start3A_9 = tpu.memref_squeeze %dma_start3A_8 : memref<1x16x128xi32, #tpu.memory_space<hbm>> -> memref<16x128xi32, #tpu.memory_space<hbm>>
    tpu.enqueue_dma source(%dma_start3A_9 : memref<16x128xi32, #tpu.memory_space<hbm>>) target(%arg7 : memref<16x128xi32, #tpu.memory_space<vmem>>) target_semaphore(%arg16 : memref<!tpu.dma_semaphore, #tpu.memory_space<semaphore_mem>>)
    %dma_start3A_10 = arith.constant 0 : i32
    %dma_start3A_11 = arith.constant 0 : i32
    %dma_start3A_12 = tpu.memref_slice %arg4[%add3A, %dma_start3A_10, %dma_start3A_11] : memref<32x80x128xi32, #tpu.memory_space<hbm>> -> memref<1x16x128xi32, #tpu.memory_space<hbm>>
    %dma_start3A_13 = tpu.memref_squeeze %dma_start3A_12 : memref<1x16x128xi32, #tpu.memory_space<hbm>> -> memref<16x128xi32, #tpu.memory_space<hbm>>
    %dma_start3A_14 = arith.constant 0 : i32
    %dma_start3A_15 = arith.constant 0 : i32
    %dma_start3A_16 = tpu.memref_slice %arg4[%add3A, %dma_start3A_14, %dma_start3A_15] : memref<32x80x128xi32, #tpu.memory_space<hbm>> -> memref<1x16x128xi32, #tpu.memory_space<hbm>>
    %dma_start3A_17 = tpu.memref_squeeze %dma_start3A_16 : memref<1x16x128xi32, #tpu.memory_space<hbm>> -> memref<16x128xi32, #tpu.memory_space<hbm>>
    tpu.enqueue_dma source(%dma_start3A_17 : memref<16x128xi32, #tpu.memory_space<hbm>>) target(%arg9 : memref<16x128xi32, #tpu.memory_space<vmem>>) target_semaphore(%arg16 : memref<!tpu.dma_semaphore, #tpu.memory_space<semaphore_mem>>)
    %dma_wait3A = arith.constant 0 : i32
    %dma_wait3A_18 = arith.constant 0 : i32
    %dma_wait3A_19 = tpu.memref_slice %arg3[%add3A, %dma_wait3A, %dma_wait3A_18] : memref<32x80x128xi32, #tpu.memory_space<hbm>> -> memref<1x16x128xi32, #tpu.memory_space<hbm>>
    %dma_wait3A_20 = tpu.memref_squeeze %dma_wait3A_19 : memref<1x16x128xi32, #tpu.memory_space<hbm>> -> memref<16x128xi32, #tpu.memory_space<hbm>>
    %dma_wait3A_21 = arith.constant 0 : i32
    %dma_wait3A_22 = arith.constant 0 : i32
    %dma_wait3A_23 = tpu.memref_slice %arg3[%add3A, %dma_wait3A_21, %dma_wait3A_22] : memref<32x80x128xi32, #tpu.memory_space<hbm>> -> memref<1x16x128xi32, #tpu.memory_space<hbm>>
    %dma_wait3A_24 = tpu.memref_squeeze %dma_wait3A_23 : memref<1x16x128xi32, #tpu.memory_space<hbm>> -> memref<16x128xi32, #tpu.memory_space<hbm>>
    tpu.wait_dma2 semaphore(%arg16 : memref<!tpu.dma_semaphore, #tpu.memory_space<semaphore_mem>>) src(%dma_wait3A_24 : memref<16x128xi32, #tpu.memory_space<hbm>>) dst(%arg7 : memref<16x128xi32, #tpu.memory_space<vmem>>)
    %dma_wait3A_25 = arith.constant 0 : i32
    %dma_wait3A_26 = arith.constant 0 : i32
    %dma_wait3A_27 = tpu.memref_slice %arg4[%add3A, %dma_wait3A_25, %dma_wait3A_26] : memref<32x80x128xi32, #tpu.memory_space<hbm>> -> memref<1x16x128xi32, #tpu.memory_space<hbm>>
    %dma_wait3A_28 = tpu.memref_squeeze %dma_wait3A_27 : memref<1x16x128xi32, #tpu.memory_space<hbm>> -> memref<16x128xi32, #tpu.memory_space<hbm>>
    %dma_wait3A_29 = arith.constant 0 : i32
    %dma_wait3A_30 = arith.constant 0 : i32
    %dma_wait3A_31 = tpu.memref_slice %arg4[%add3A, %dma_wait3A_29, %dma_wait3A_30] : memref<32x80x128xi32, #tpu.memory_space<hbm>> -> memref<1x16x128xi32, #tpu.memory_space<hbm>>
    %dma_wait3A_32 = tpu.memref_squeeze %dma_wait3A_31 : memref<1x16x128xi32, #tpu.memory_space<hbm>> -> memref<16x128xi32, #tpu.memory_space<hbm>>
    tpu.wait_dma2 semaphore(%arg16 : memref<!tpu.dma_semaphore, #tpu.memory_space<semaphore_mem>>) src(%dma_wait3A_32 : memref<16x128xi32, #tpu.memory_space<hbm>>) dst(%arg9 : memref<16x128xi32, #tpu.memory_space<vmem>>)
    %barrier3A = arith.constant 0 : index
    tpu.barrier barrier_id(%barrier3A)
    %dma_start3A_33 = arith.constant 0 : i32
    %dma_start3A_34 = arith.constant 0 : i32
    %dma_start3A_35 = tpu.memref_slice %arg7[%dma_start3A_33, %dma_start3A_34] : memref<16x128xi32, #tpu.memory_space<vmem>> -> memref<1x128xi32, #tpu.memory_space<vmem>>
    %dma_start3A_36 = tpu.memref_squeeze %dma_start3A_35 : memref<1x128xi32, #tpu.memory_space<vmem>> -> memref<128xi32, #tpu.memory_space<vmem>>
    %dma_start3A_37 = arith.constant 0 : i32
    %dma_start3A_38 = arith.constant 0 : i32
    %dma_start3A_39 = tpu.memref_slice %arg2[%dma_start3A_37, %dma_start3A_38] : memref<10000x128xf32, #tpu.memory_space<hbm>> -> memref<10000x128xf32, #tpu.memory_space<hbm>>
    tpu.enqueue_indirect_dma source(%dma_start3A_39 : memref<10000x128xf32, #tpu.memory_space<hbm>>) target(%arg11 : memref<128x128xf32, #tpu.memory_space<vmem>>) offsets(%dma_start3A_36 : memref<128xi32, #tpu.memory_space<vmem>>) semaphore(%arg14 : memref<!tpu.dma_semaphore, #tpu.memory_space<semaphore_mem>>)
    %scan3A = arith.constant 0 : i32
    %scan3A_40 = arith.constant 0 : i32
    %scan3A_41 = arith.constant 80 : i32
    %scan3A_42 = arith.addi %scan3A_40, %scan3A_41 : i32
    %scan3A_43 = arith.constant 1 : i32
    scf.for %scan3A_46 = %scan3A_40 to %scan3A_42 step %scan3A_43  : i32 {
      %rem3A = arith.constant 16 : i32
      %rem3A_47 = arith.remsi %scan3A_46, %rem3A : i32
      %eq3A = arith.constant 0 : i32
      %eq3A_48 = arith.cmpi eq, %rem3A_47, %eq3A : i32
      %convert_element_type3A = arith.extui %eq3A_48 : i1 to i32
      %cond3A = arith.constant 0 : i32
      %cond3A_49 = arith.cmpi ne, %convert_element_type3A, %cond3A : i32
      scf.if %cond3A_49 {
        %div3A_82 = arith.constant 16 : i32
        %div3A_83 = arith.divsi %scan3A_46, %div3A_82 : i32
        %add3A_84 = arith.constant 1 : i32
        %add3A_85 = arith.addi %div3A_83, %add3A_84 : i32
        %rem3A_86 = arith.constant 2 : i32
        %rem3A_87 = arith.remsi %add3A_85, %rem3A_86 : i32
        %eq3A_88 = arith.constant 0 : i32
        %eq3A_89 = arith.cmpi eq, %rem3A_87, %eq3A_88 : i32
        %convert_element_type3A_90 = arith.extui %eq3A_89 : i1 to i32
        %cond3A_91 = arith.constant 0 : i32
        %cond3A_92 = arith.cmpi ne, %convert_element_type3A_90, %cond3A_91 : i32
        scf.if %cond3A_92 {
          %add3A_102 = arith.constant 1 : i32
          %add3A_103 = arith.addi %div3A_83, %add3A_102 : i32
          %mul3A_104 = arith.constant 16 : i32
          %mul3A_105 = arith.muli %add3A_103, %mul3A_104 : i32
          %lt3A_106 = arith.constant 80 : i32
          %lt3A_107 = arith.cmpi slt, %mul3A_105, %lt3A_106 : i32
          %convert_element_type3A_108 = arith.extui %lt3A_107 : i1 to i32
          %cond3A_109 = arith.constant 0 : i32
          %cond3A_110 = arith.cmpi ne, %convert_element_type3A_108, %cond3A_109 : i32
          scf.if %cond3A_110 {
            %add3A_111 = arith.constant 1 : i32
            %add3A_112 = arith.addi %div3A_83, %add3A_111 : i32
            %mul3A_113 = arith.constant 16 : i32
            %mul3A_114 = arith.muli %add3A_112, %mul3A_113 : i32
            %dma_start3A_115 = arith.constant 0 : i32
            %dma_start3A_116 = tpu.memref_slice %arg3[%add3A, %mul3A_114, %dma_start3A_115] : memref<32x80x128xi32, #tpu.memory_space<hbm>> -> memref<1x16x128xi32, #tpu.memory_space<hbm>>
            %dma_start3A_117 = tpu.memref_squeeze %dma_start3A_116 : memref<1x16x128xi32, #tpu.memory_space<hbm>> -> memref<16x128xi32, #tpu.memory_space<hbm>>
            %dma_start3A_118 = arith.constant 0 : i32
            %dma_start3A_119 = tpu.memref_slice %arg3[%add3A, %mul3A_114, %dma_start3A_118] : memref<32x80x128xi32, #tpu.memory_space<hbm>> -> memref<1x16x128xi32, #tpu.memory_space<hbm>>
            %dma_start3A_120 = tpu.memref_squeeze %dma_start3A_119 : memref<1x16x128xi32, #tpu.memory_space<hbm>> -> memref<16x128xi32, #tpu.memory_space<hbm>>
            tpu.enqueue_dma source(%dma_start3A_120 : memref<16x128xi32, #tpu.memory_space<hbm>>) target(%arg7 : memref<16x128xi32, #tpu.memory_space<vmem>>) target_semaphore(%arg16 : memref<!tpu.dma_semaphore, #tpu.memory_space<semaphore_mem>>)
            %mul3A_121 = arith.constant 16 : i32
            %mul3A_122 = arith.muli %add3A_112, %mul3A_121 : i32
            %dma_start3A_123 = arith.constant 0 : i32
            %dma_start3A_124 = tpu.memref_slice %arg4[%add3A, %mul3A_122, %dma_start3A_123] : memref<32x80x128xi32, #tpu.memory_space<hbm>> -> memref<1x16x128xi32, #tpu.memory_space<hbm>>
            %dma_start3A_125 = tpu.memref_squeeze %dma_start3A_124 : memref<1x16x128xi32, #tpu.memory_space<hbm>> -> memref<16x128xi32, #tpu.memory_space<hbm>>
            %dma_start3A_126 = arith.constant 0 : i32
            %dma_start3A_127 = tpu.memref_slice %arg4[%add3A, %mul3A_122, %dma_start3A_126] : memref<32x80x128xi32, #tpu.memory_space<hbm>> -> memref<1x16x128xi32, #tpu.memory_space<hbm>>
            %dma_start3A_128 = tpu.memref_squeeze %dma_start3A_127 : memref<1x16x128xi32, #tpu.memory_space<hbm>> -> memref<16x128xi32, #tpu.memory_space<hbm>>
            tpu.enqueue_dma source(%dma_start3A_128 : memref<16x128xi32, #tpu.memory_space<hbm>>) target(%arg9 : memref<16x128xi32, #tpu.memory_space<vmem>>) target_semaphore(%arg16 : memref<!tpu.dma_semaphore, #tpu.memory_space<semaphore_mem>>)
          } else {
          }
        } else {
        }
        %add3A_93 = arith.constant 1 : i32
        %add3A_94 = arith.addi %div3A_83, %add3A_93 : i32
        %rem3A_95 = arith.constant 2 : i32
        %rem3A_96 = arith.remsi %add3A_94, %rem3A_95 : i32
        %eq3A_97 = arith.constant 1 : i32
        %eq3A_98 = arith.cmpi eq, %rem3A_96, %eq3A_97 : i32
        %convert_element_type3A_99 = arith.extui %eq3A_98 : i1 to i32
        %cond3A_100 = arith.constant 0 : i32
        %cond3A_101 = arith.cmpi ne, %convert_element_type3A_99, %cond3A_100 : i32
        scf.if %cond3A_101 {
          %add3A_102 = arith.constant 1 : i32
          %add3A_103 = arith.addi %div3A_83, %add3A_102 : i32
          %mul3A_104 = arith.constant 16 : i32
          %mul3A_105 = arith.muli %add3A_103, %mul3A_104 : i32
          %lt3A_106 = arith.constant 80 : i32
          %lt3A_107 = arith.cmpi slt, %mul3A_105, %lt3A_106 : i32
          %convert_element_type3A_108 = arith.extui %lt3A_107 : i1 to i32
          %cond3A_109 = arith.constant 0 : i32
          %cond3A_110 = arith.cmpi ne, %convert_element_type3A_108, %cond3A_109 : i32
          scf.if %cond3A_110 {
            %add3A_111 = arith.constant 1 : i32
            %add3A_112 = arith.addi %div3A_83, %add3A_111 : i32
            %mul3A_113 = arith.constant 16 : i32
            %mul3A_114 = arith.muli %add3A_112, %mul3A_113 : i32
            %dma_start3A_115 = arith.constant 0 : i32
            %dma_start3A_116 = tpu.memref_slice %arg3[%add3A, %mul3A_114, %dma_start3A_115] : memref<32x80x128xi32, #tpu.memory_space<hbm>> -> memref<1x16x128xi32, #tpu.memory_space<hbm>>
            %dma_start3A_117 = tpu.memref_squeeze %dma_start3A_116 : memref<1x16x128xi32, #tpu.memory_space<hbm>> -> memref<16x128xi32, #tpu.memory_space<hbm>>
            %dma_start3A_118 = arith.constant 0 : i32
            %dma_start3A_119 = tpu.memref_slice %arg3[%add3A, %mul3A_114, %dma_start3A_118] : memref<32x80x128xi32, #tpu.memory_space<hbm>> -> memref<1x16x128xi32, #tpu.memory_space<hbm>>
            %dma_start3A_120 = tpu.memref_squeeze %dma_start3A_119 : memref<1x16x128xi32, #tpu.memory_space<hbm>> -> memref<16x128xi32, #tpu.memory_space<hbm>>
            tpu.enqueue_dma source(%dma_start3A_120 : memref<16x128xi32, #tpu.memory_space<hbm>>) target(%arg8 : memref<16x128xi32, #tpu.memory_space<vmem>>) target_semaphore(%arg17 : memref<!tpu.dma_semaphore, #tpu.memory_space<semaphore_mem>>)
            %mul3A_121 = arith.constant 16 : i32
            %mul3A_122 = arith.muli %add3A_112, %mul3A_121 : i32
            %dma_start3A_123 = arith.constant 0 : i32
            %dma_start3A_124 = tpu.memref_slice %arg4[%add3A, %mul3A_122, %dma_start3A_123] : memref<32x80x128xi32, #tpu.memory_space<hbm>> -> memref<1x16x128xi32, #tpu.memory_space<hbm>>
            %dma_start3A_125 = tpu.memref_squeeze %dma_start3A_124 : memref<1x16x128xi32, #tpu.memory_space<hbm>> -> memref<16x128xi32, #tpu.memory_space<hbm>>
            %dma_start3A_126 = arith.constant 0 : i32
            %dma_start3A_127 = tpu.memref_slice %arg4[%add3A, %mul3A_122, %dma_start3A_126] : memref<32x80x128xi32, #tpu.memory_space<hbm>> -> memref<1x16x128xi32, #tpu.memory_space<hbm>>
            %dma_start3A_128 = tpu.memref_squeeze %dma_start3A_127 : memref<1x16x128xi32, #tpu.memory_space<hbm>> -> memref<16x128xi32, #tpu.memory_space<hbm>>
            tpu.enqueue_dma source(%dma_start3A_128 : memref<16x128xi32, #tpu.memory_space<hbm>>) target(%arg10 : memref<16x128xi32, #tpu.memory_space<vmem>>) target_semaphore(%arg17 : memref<!tpu.dma_semaphore, #tpu.memory_space<semaphore_mem>>)
          } else {
          }
        } else {
        }
      } else {
      }
      %rem3A_50 = arith.constant 16 : i32
      %rem3A_51 = arith.remsi %scan3A_46, %rem3A_50 : i32
      %eq3A_52 = arith.constant 15 : i32
      %eq3A_53 = arith.cmpi eq, %rem3A_51, %eq3A_52 : i32
      %convert_element_type3A_54 = arith.extui %eq3A_53 : i1 to i32
      %cond3A_55 = arith.constant 0 : i32
      %cond3A_56 = arith.cmpi ne, %convert_element_type3A_54, %cond3A_55 : i32
      scf.if %cond3A_56 {
        %div3A_82 = arith.constant 16 : i32
        %div3A_83 = arith.divsi %scan3A_46, %div3A_82 : i32
        %add3A_84 = arith.constant 1 : i32
        %add3A_85 = arith.addi %div3A_83, %add3A_84 : i32
        %rem3A_86 = arith.constant 2 : i32
        %rem3A_87 = arith.remsi %add3A_85, %rem3A_86 : i32
        %eq3A_88 = arith.constant 0 : i32
        %eq3A_89 = arith.cmpi eq, %rem3A_87, %eq3A_88 : i32
        %convert_element_type3A_90 = arith.extui %eq3A_89 : i1 to i32
        %cond3A_91 = arith.constant 0 : i32
        %cond3A_92 = arith.cmpi ne, %convert_element_type3A_90, %cond3A_91 : i32
        scf.if %cond3A_92 {
          %add3A_102 = arith.constant 1 : i32
          %add3A_103 = arith.addi %div3A_83, %add3A_102 : i32
          %mul3A_104 = arith.constant 16 : i32
          %mul3A_105 = arith.muli %add3A_103, %mul3A_104 : i32
          %lt3A_106 = arith.constant 80 : i32
          %lt3A_107 = arith.cmpi slt, %mul3A_105, %lt3A_106 : i32
          %convert_element_type3A_108 = arith.extui %lt3A_107 : i1 to i32
          %cond3A_109 = arith.constant 0 : i32
          %cond3A_110 = arith.cmpi ne, %convert_element_type3A_108, %cond3A_109 : i32
          scf.if %cond3A_110 {
            %add3A_111 = arith.constant 1 : i32
            %add3A_112 = arith.addi %div3A_83, %add3A_111 : i32
            %mul3A_113 = arith.constant 16 : i32
            %mul3A_114 = arith.muli %add3A_112, %mul3A_113 : i32
            %dma_wait3A_115 = arith.constant 0 : i32
            %dma_wait3A_116 = tpu.memref_slice %arg3[%add3A, %mul3A_114, %dma_wait3A_115] : memref<32x80x128xi32, #tpu.memory_space<hbm>> -> memref<1x16x128xi32, #tpu.memory_space<hbm>>
            %dma_wait3A_117 = tpu.memref_squeeze %dma_wait3A_116 : memref<1x16x128xi32, #tpu.memory_space<hbm>> -> memref<16x128xi32, #tpu.memory_space<hbm>>
            %dma_wait3A_118 = arith.constant 0 : i32
            %dma_wait3A_119 = tpu.memref_slice %arg3[%add3A, %mul3A_114, %dma_wait3A_118] : memref<32x80x128xi32, #tpu.memory_space<hbm>> -> memref<1x16x128xi32, #tpu.memory_space<hbm>>
            %dma_wait3A_120 = tpu.memref_squeeze %dma_wait3A_119 : memref<1x16x128xi32, #tpu.memory_space<hbm>> -> memref<16x128xi32, #tpu.memory_space<hbm>>
            tpu.wait_dma2 semaphore(%arg16 : memref<!tpu.dma_semaphore, #tpu.memory_space<semaphore_mem>>) src(%dma_wait3A_120 : memref<16x128xi32, #tpu.memory_space<hbm>>) dst(%arg7 : memref<16x128xi32, #tpu.memory_space<vmem>>)
            %mul3A_121 = arith.constant 16 : i32
            %mul3A_122 = arith.muli %add3A_112, %mul3A_121 : i32
            %dma_wait3A_123 = arith.constant 0 : i32
            %dma_wait3A_124 = tpu.memref_slice %arg4[%add3A, %mul3A_122, %dma_wait3A_123] : memref<32x80x128xi32, #tpu.memory_space<hbm>> -> memref<1x16x128xi32, #tpu.memory_space<hbm>>
            %dma_wait3A_125 = tpu.memref_squeeze %dma_wait3A_124 : memref<1x16x128xi32, #tpu.memory_space<hbm>> -> memref<16x128xi32, #tpu.memory_space<hbm>>
            %dma_wait3A_126 = arith.constant 0 : i32
            %dma_wait3A_127 = tpu.memref_slice %arg4[%add3A, %mul3A_122, %dma_wait3A_126] : memref<32x80x128xi32, #tpu.memory_space<hbm>> -> memref<1x16x128xi32, #tpu.memory_space<hbm>>
            %dma_wait3A_128 = tpu.memref_squeeze %dma_wait3A_127 : memref<1x16x128xi32, #tpu.memory_space<hbm>> -> memref<16x128xi32, #tpu.memory_space<hbm>>
            tpu.wait_dma2 semaphore(%arg16 : memref<!tpu.dma_semaphore, #tpu.memory_space<semaphore_mem>>) src(%dma_wait3A_128 : memref<16x128xi32, #tpu.memory_space<hbm>>) dst(%arg9 : memref<16x128xi32, #tpu.memory_space<vmem>>)
          } else {
          }
        } else {
        }
        %add3A_93 = arith.constant 1 : i32
        %add3A_94 = arith.addi %div3A_83, %add3A_93 : i32
        %rem3A_95 = arith.constant 2 : i32
        %rem3A_96 = arith.remsi %add3A_94, %rem3A_95 : i32
        %eq3A_97 = arith.constant 1 : i32
        %eq3A_98 = arith.cmpi eq, %rem3A_96, %eq3A_97 : i32
        %convert_element_type3A_99 = arith.extui %eq3A_98 : i1 to i32
        %cond3A_100 = arith.constant 0 : i32
        %cond3A_101 = arith.cmpi ne, %convert_element_type3A_99, %cond3A_100 : i32
        scf.if %cond3A_101 {
          %add3A_102 = arith.constant 1 : i32
          %add3A_103 = arith.addi %div3A_83, %add3A_102 : i32
          %mul3A_104 = arith.constant 16 : i32
          %mul3A_105 = arith.muli %add3A_103, %mul3A_104 : i32
          %lt3A_106 = arith.constant 80 : i32
          %lt3A_107 = arith.cmpi slt, %mul3A_105, %lt3A_106 : i32
          %convert_element_type3A_108 = arith.extui %lt3A_107 : i1 to i32
          %cond3A_109 = arith.constant 0 : i32
          %cond3A_110 = arith.cmpi ne, %convert_element_type3A_108, %cond3A_109 : i32
          scf.if %cond3A_110 {
            %add3A_111 = arith.constant 1 : i32
            %add3A_112 = arith.addi %div3A_83, %add3A_111 : i32
            %mul3A_113 = arith.constant 16 : i32
            %mul3A_114 = arith.muli %add3A_112, %mul3A_113 : i32
            %dma_wait3A_115 = arith.constant 0 : i32
            %dma_wait3A_116 = tpu.memref_slice %arg3[%add3A, %mul3A_114, %dma_wait3A_115] : memref<32x80x128xi32, #tpu.memory_space<hbm>> -> memref<1x16x128xi32, #tpu.memory_space<hbm>>
            %dma_wait3A_117 = tpu.memref_squeeze %dma_wait3A_116 : memref<1x16x128xi32, #tpu.memory_space<hbm>> -> memref<16x128xi32, #tpu.memory_space<hbm>>
            %dma_wait3A_118 = arith.constant 0 : i32
            %dma_wait3A_119 = tpu.memref_slice %arg3[%add3A, %mul3A_114, %dma_wait3A_118] : memref<32x80x128xi32, #tpu.memory_space<hbm>> -> memref<1x16x128xi32, #tpu.memory_space<hbm>>
            %dma_wait3A_120 = tpu.memref_squeeze %dma_wait3A_119 : memref<1x16x128xi32, #tpu.memory_space<hbm>> -> memref<16x128xi32, #tpu.memory_space<hbm>>
            tpu.wait_dma2 semaphore(%arg17 : memref<!tpu.dma_semaphore, #tpu.memory_space<semaphore_mem>>) src(%dma_wait3A_120 : memref<16x128xi32, #tpu.memory_space<hbm>>) dst(%arg8 : memref<16x128xi32, #tpu.memory_space<vmem>>)
            %mul3A_121 = arith.constant 16 : i32
            %mul3A_122 = arith.muli %add3A_112, %mul3A_121 : i32
            %dma_wait3A_123 = arith.constant 0 : i32
            %dma_wait3A_124 = tpu.memref_slice %arg4[%add3A, %mul3A_122, %dma_wait3A_123] : memref<32x80x128xi32, #tpu.memory_space<hbm>> -> memref<1x16x128xi32, #tpu.memory_space<hbm>>
            %dma_wait3A_125 = tpu.memref_squeeze %dma_wait3A_124 : memref<1x16x128xi32, #tpu.memory_space<hbm>> -> memref<16x128xi32, #tpu.memory_space<hbm>>
            %dma_wait3A_126 = arith.constant 0 : i32
            %dma_wait3A_127 = tpu.memref_slice %arg4[%add3A, %mul3A_122, %dma_wait3A_126] : memref<32x80x128xi32, #tpu.memory_space<hbm>> -> memref<1x16x128xi32, #tpu.memory_space<hbm>>
            %dma_wait3A_128 = tpu.memref_squeeze %dma_wait3A_127 : memref<1x16x128xi32, #tpu.memory_space<hbm>> -> memref<16x128xi32, #tpu.memory_space<hbm>>
            tpu.wait_dma2 semaphore(%arg17 : memref<!tpu.dma_semaphore, #tpu.memory_space<semaphore_mem>>) src(%dma_wait3A_128 : memref<16x128xi32, #tpu.memory_space<hbm>>) dst(%arg10 : memref<16x128xi32, #tpu.memory_space<vmem>>)
          } else {
          }
        } else {
        }
      } else {
      }
      %add3A_57 = arith.constant 1 : i32
      %add3A_58 = arith.addi %scan3A_46, %add3A_57 : i32
      %lt3A = arith.constant 80 : i32
      %lt3A_59 = arith.cmpi slt, %add3A_58, %lt3A : i32
      %convert_element_type3A_60 = arith.extui %lt3A_59 : i1 to i32
      %cond3A_61 = arith.constant 0 : i32
      %cond3A_62 = arith.cmpi ne, %convert_element_type3A_60, %cond3A_61 : i32
      scf.if %cond3A_62 {
        %rem3A_82 = arith.constant 16 : i32
        %rem3A_83 = arith.remsi %add3A_58, %rem3A_82 : i32
        %div3A_84 = arith.constant 16 : i32
        %div3A_85 = arith.divsi %add3A_58, %div3A_84 : i32
        %rem3A_86 = arith.constant 2 : i32
        %rem3A_87 = arith.remsi %div3A_85, %rem3A_86 : i32
        %eq3A_88 = arith.constant 0 : i32
        %eq3A_89 = arith.cmpi eq, %rem3A_87, %eq3A_88 : i32
        %convert_element_type3A_90 = arith.extui %eq3A_89 : i1 to i32
        %cond3A_91 = arith.constant 0 : i32
        %cond3A_92 = arith.cmpi ne, %convert_element_type3A_90, %cond3A_91 : i32
        scf.if %cond3A_92 {
          %rem3A_102 = arith.constant 2 : i32
          %rem3A_103 = arith.remsi %add3A_58, %rem3A_102 : i32
          %eq3A_104 = arith.constant 0 : i32
          %eq3A_105 = arith.cmpi eq, %rem3A_103, %eq3A_104 : i32
          %convert_element_type3A_106 = arith.extui %eq3A_105 : i1 to i32
          %cond3A_107 = arith.constant 0 : i32
          %cond3A_108 = arith.cmpi ne, %convert_element_type3A_106, %cond3A_107 : i32
          scf.if %cond3A_108 {
            %dma_start3A_116 = arith.constant 0 : i32
            %dma_start3A_117 = tpu.memref_slice %arg7[%rem3A_83, %dma_start3A_116] : memref<16x128xi32, #tpu.memory_space<vmem>> -> memref<1x128xi32, #tpu.memory_space<vmem>>
            %dma_start3A_118 = tpu.memref_squeeze %dma_start3A_117 : memref<1x128xi32, #tpu.memory_space<vmem>> -> memref<128xi32, #tpu.memory_space<vmem>>
            %dma_start3A_119 = arith.constant 0 : i32
            %dma_start3A_120 = arith.constant 0 : i32
            %dma_start3A_121 = tpu.memref_slice %arg2[%dma_start3A_119, %dma_start3A_120] : memref<10000x128xf32, #tpu.memory_space<hbm>> -> memref<10000x128xf32, #tpu.memory_space<hbm>>
            tpu.enqueue_indirect_dma source(%dma_start3A_121 : memref<10000x128xf32, #tpu.memory_space<hbm>>) target(%arg11 : memref<128x128xf32, #tpu.memory_space<vmem>>) offsets(%dma_start3A_118 : memref<128xi32, #tpu.memory_space<vmem>>) semaphore(%arg14 : memref<!tpu.dma_semaphore, #tpu.memory_space<semaphore_mem>>)
          } else {
          }
          %rem3A_109 = arith.constant 2 : i32
          %rem3A_110 = arith.remsi %add3A_58, %rem3A_109 : i32
          %eq3A_111 = arith.constant 1 : i32
          %eq3A_112 = arith.cmpi eq, %rem3A_110, %eq3A_111 : i32
          %convert_element_type3A_113 = arith.extui %eq3A_112 : i1 to i32
          %cond3A_114 = arith.constant 0 : i32
          %cond3A_115 = arith.cmpi ne, %convert_element_type3A_113, %cond3A_114 : i32
          scf.if %cond3A_115 {
            %dma_start3A_116 = arith.constant 0 : i32
            %dma_start3A_117 = tpu.memref_slice %arg7[%rem3A_83, %dma_start3A_116] : memref<16x128xi32, #tpu.memory_space<vmem>> -> memref<1x128xi32, #tpu.memory_space<vmem>>
            %dma_start3A_118 = tpu.memref_squeeze %dma_start3A_117 : memref<1x128xi32, #tpu.memory_space<vmem>> -> memref<128xi32, #tpu.memory_space<vmem>>
            %dma_start3A_119 = arith.constant 0 : i32
            %dma_start3A_120 = arith.constant 0 : i32
            %dma_start3A_121 = tpu.memref_slice %arg2[%dma_start3A_119, %dma_start3A_120] : memref<10000x128xf32, #tpu.memory_space<hbm>> -> memref<10000x128xf32, #tpu.memory_space<hbm>>
            tpu.enqueue_indirect_dma source(%dma_start3A_121 : memref<10000x128xf32, #tpu.memory_space<hbm>>) target(%arg12 : memref<128x128xf32, #tpu.memory_space<vmem>>) offsets(%dma_start3A_118 : memref<128xi32, #tpu.memory_space<vmem>>) semaphore(%arg15 : memref<!tpu.dma_semaphore, #tpu.memory_space<semaphore_mem>>)
          } else {
          }
        } else {
        }
        %div3A_93 = arith.constant 16 : i32
        %div3A_94 = arith.divsi %add3A_58, %div3A_93 : i32
        %rem3A_95 = arith.constant 2 : i32
        %rem3A_96 = arith.remsi %div3A_94, %rem3A_95 : i32
        %eq3A_97 = arith.constant 1 : i32
        %eq3A_98 = arith.cmpi eq, %rem3A_96, %eq3A_97 : i32
        %convert_element_type3A_99 = arith.extui %eq3A_98 : i1 to i32
        %cond3A_100 = arith.constant 0 : i32
        %cond3A_101 = arith.cmpi ne, %convert_element_type3A_99, %cond3A_100 : i32
        scf.if %cond3A_101 {
          %rem3A_102 = arith.constant 2 : i32
          %rem3A_103 = arith.remsi %add3A_58, %rem3A_102 : i32
          %eq3A_104 = arith.constant 0 : i32
          %eq3A_105 = arith.cmpi eq, %rem3A_103, %eq3A_104 : i32
          %convert_element_type3A_106 = arith.extui %eq3A_105 : i1 to i32
          %cond3A_107 = arith.constant 0 : i32
          %cond3A_108 = arith.cmpi ne, %convert_element_type3A_106, %cond3A_107 : i32
          scf.if %cond3A_108 {
            %dma_start3A_116 = arith.constant 0 : i32
            %dma_start3A_117 = tpu.memref_slice %arg8[%rem3A_83, %dma_start3A_116] : memref<16x128xi32, #tpu.memory_space<vmem>> -> memref<1x128xi32, #tpu.memory_space<vmem>>
            %dma_start3A_118 = tpu.memref_squeeze %dma_start3A_117 : memref<1x128xi32, #tpu.memory_space<vmem>> -> memref<128xi32, #tpu.memory_space<vmem>>
            %dma_start3A_119 = arith.constant 0 : i32
            %dma_start3A_120 = arith.constant 0 : i32
            %dma_start3A_121 = tpu.memref_slice %arg2[%dma_start3A_119, %dma_start3A_120] : memref<10000x128xf32, #tpu.memory_space<hbm>> -> memref<10000x128xf32, #tpu.memory_space<hbm>>
            tpu.enqueue_indirect_dma source(%dma_start3A_121 : memref<10000x128xf32, #tpu.memory_space<hbm>>) target(%arg11 : memref<128x128xf32, #tpu.memory_space<vmem>>) offsets(%dma_start3A_118 : memref<128xi32, #tpu.memory_space<vmem>>) semaphore(%arg14 : memref<!tpu.dma_semaphore, #tpu.memory_space<semaphore_mem>>)
          } else {
          }
          %rem3A_109 = arith.constant 2 : i32
          %rem3A_110 = arith.remsi %add3A_58, %rem3A_109 : i32
          %eq3A_111 = arith.constant 1 : i32
          %eq3A_112 = arith.cmpi eq, %rem3A_110, %eq3A_111 : i32
          %convert_element_type3A_113 = arith.extui %eq3A_112 : i1 to i32
          %cond3A_114 = arith.constant 0 : i32
          %cond3A_115 = arith.cmpi ne, %convert_element_type3A_113, %cond3A_114 : i32
          scf.if %cond3A_115 {
            %dma_start3A_116 = arith.constant 0 : i32
            %dma_start3A_117 = tpu.memref_slice %arg8[%rem3A_83, %dma_start3A_116] : memref<16x128xi32, #tpu.memory_space<vmem>> -> memref<1x128xi32, #tpu.memory_space<vmem>>
            %dma_start3A_118 = tpu.memref_squeeze %dma_start3A_117 : memref<1x128xi32, #tpu.memory_space<vmem>> -> memref<128xi32, #tpu.memory_space<vmem>>
            %dma_start3A_119 = arith.constant 0 : i32
            %dma_start3A_120 = arith.constant 0 : i32
            %dma_start3A_121 = tpu.memref_slice %arg2[%dma_start3A_119, %dma_start3A_120] : memref<10000x128xf32, #tpu.memory_space<hbm>> -> memref<10000x128xf32, #tpu.memory_space<hbm>>
            tpu.enqueue_indirect_dma source(%dma_start3A_121 : memref<10000x128xf32, #tpu.memory_space<hbm>>) target(%arg12 : memref<128x128xf32, #tpu.memory_space<vmem>>) offsets(%dma_start3A_118 : memref<128xi32, #tpu.memory_space<vmem>>) semaphore(%arg15 : memref<!tpu.dma_semaphore, #tpu.memory_space<semaphore_mem>>)
          } else {
          }
        } else {
        }
      } else {
      }
      %rem3A_63 = arith.constant 16 : i32
      %rem3A_64 = arith.remsi %scan3A_46, %rem3A_63 : i32
      %div3A = arith.constant 16 : i32
      %div3A_65 = arith.divsi %scan3A_46, %div3A : i32
      %rem3A_66 = arith.constant 2 : i32
      %rem3A_67 = arith.remsi %div3A_65, %rem3A_66 : i32
      %eq3A_68 = arith.constant 0 : i32
      %eq3A_69 = arith.cmpi eq, %rem3A_67, %eq3A_68 : i32
      %convert_element_type3A_70 = arith.extui %eq3A_69 : i1 to i32
      %cond3A_71 = arith.constant 0 : i32
      %cond3A_72 = arith.cmpi ne, %convert_element_type3A_70, %cond3A_71 : i32
      scf.if %cond3A_72 {
        %rem3A_82 = arith.constant 2 : i32
        %rem3A_83 = arith.remsi %scan3A_46, %rem3A_82 : i32
        %eq3A_84 = arith.constant 0 : i32
        %eq3A_85 = arith.cmpi eq, %rem3A_83, %eq3A_84 : i32
        %convert_element_type3A_86 = arith.extui %eq3A_85 : i1 to i32
        %cond3A_87 = arith.constant 0 : i32
        %cond3A_88 = arith.cmpi ne, %convert_element_type3A_86, %cond3A_87 : i32
        scf.if %cond3A_88 {
          %dma_wait3A_96 = arith.constant 0 : i32
          %dma_wait3A_97 = tpu.memref_slice %arg7[%rem3A_64, %dma_wait3A_96] : memref<16x128xi32, #tpu.memory_space<vmem>> -> memref<1x128xi32, #tpu.memory_space<vmem>>
          %dma_wait3A_98 = tpu.memref_squeeze %dma_wait3A_97 : memref<1x128xi32, #tpu.memory_space<vmem>> -> memref<128xi32, #tpu.memory_space<vmem>>
          %dma_wait3A_99 = arith.constant 0 : i32
          %dma_wait3A_100 = arith.constant 0 : i32
          %dma_wait3A_101 = tpu.memref_slice %arg2[%dma_wait3A_99, %dma_wait3A_100] : memref<10000x128xf32, #tpu.memory_space<hbm>> -> memref<10000x128xf32, #tpu.memory_space<hbm>>
          tpu.wait_indirect_dma semaphore(%arg14 : memref<!tpu.dma_semaphore, #tpu.memory_space<semaphore_mem>>) src(%dma_wait3A_101 : memref<10000x128xf32, #tpu.memory_space<hbm>>) dst(%arg11 : memref<128x128xf32, #tpu.memory_space<vmem>>)
          "tpu.region"() ({
            %run_scoped3A = tpu.sem_alloc : memref<!tpu.dma_semaphore, #tpu.memory_space<semaphore_mem>>
            %dma_start3A_102 = arith.constant 0 : i32
            %dma_start3A_103 = tpu.memref_slice %arg9[%rem3A_64, %dma_start3A_102] : memref<16x128xi32, #tpu.memory_space<vmem>> -> memref<1x128xi32, #tpu.memory_space<vmem>>
            %dma_start3A_104 = tpu.memref_squeeze %dma_start3A_103 : memref<1x128xi32, #tpu.memory_space<vmem>> -> memref<128xi32, #tpu.memory_space<vmem>>
            %dma_start3A_105 = arith.constant 0 : i32
            %dma_start3A_106 = arith.constant 0 : i32
            %dma_start3A_107 = tpu.memref_slice %arg13[%dma_start3A_105, %dma_start3A_106] : memref<10112x128xf32, #tpu.memory_space<vmem_shared>> -> memref<10112x128xf32, #tpu.memory_space<vmem_shared>>
            tpu.enqueue_indirect_dma source(%arg11 : memref<128x128xf32, #tpu.memory_space<vmem>>) target(%dma_start3A_107 : memref<10112x128xf32, #tpu.memory_space<vmem_shared>>) offsets(%dma_start3A_104 : memref<128xi32, #tpu.memory_space<vmem>>) semaphore(%run_scoped3A : memref<!tpu.dma_semaphore, #tpu.memory_space<semaphore_mem>>) {add = true}
            %dma_wait3A_108 = arith.constant 0 : i32
            %dma_wait3A_109 = tpu.memref_slice %arg9[%rem3A_64, %dma_wait3A_108] : memref<16x128xi32, #tpu.memory_space<vmem>> -> memref<1x128xi32, #tpu.memory_space<vmem>>
            %dma_wait3A_110 = tpu.memref_squeeze %dma_wait3A_109 : memref<1x128xi32, #tpu.memory_space<vmem>> -> memref<128xi32, #tpu.memory_space<vmem>>
            %dma_wait3A_111 = arith.constant 0 : i32
            %dma_wait3A_112 = arith.constant 0 : i32
            %dma_wait3A_113 = tpu.memref_slice %arg13[%dma_wait3A_111, %dma_wait3A_112] : memref<10112x128xf32, #tpu.memory_space<vmem_shared>> -> memref<10112x128xf32, #tpu.memory_space<vmem_shared>>
            tpu.wait_indirect_dma semaphore(%run_scoped3A : memref<!tpu.dma_semaphore, #tpu.memory_space<semaphore_mem>>) src(%arg11 : memref<128x128xf32, #tpu.memory_space<vmem>>) dst(%dma_wait3A_113 : memref<10112x128xf32, #tpu.memory_space<vmem_shared>>)
            tpu.yield
          }) : () -> ()
        } else {
        }
        %rem3A_89 = arith.constant 2 : i32
        %rem3A_90 = arith.remsi %scan3A_46, %rem3A_89 : i32
        %eq3A_91 = arith.constant 1 : i32
        %eq3A_92 = arith.cmpi eq, %rem3A_90, %eq3A_91 : i32
        %convert_element_type3A_93 = arith.extui %eq3A_92 : i1 to i32
        %cond3A_94 = arith.constant 0 : i32
        %cond3A_95 = arith.cmpi ne, %convert_element_type3A_93, %cond3A_94 : i32
        scf.if %cond3A_95 {
          %dma_wait3A_96 = arith.constant 0 : i32
          %dma_wait3A_97 = tpu.memref_slice %arg7[%rem3A_64, %dma_wait3A_96] : memref<16x128xi32, #tpu.memory_space<vmem>> -> memref<1x128xi32, #tpu.memory_space<vmem>>
          %dma_wait3A_98 = tpu.memref_squeeze %dma_wait3A_97 : memref<1x128xi32, #tpu.memory_space<vmem>> -> memref<128xi32, #tpu.memory_space<vmem>>
          %dma_wait3A_99 = arith.constant 0 : i32
          %dma_wait3A_100 = arith.constant 0 : i32
          %dma_wait3A_101 = tpu.memref_slice %arg2[%dma_wait3A_99, %dma_wait3A_100] : memref<10000x128xf32, #tpu.memory_space<hbm>> -> memref<10000x128xf32, #tpu.memory_space<hbm>>
          tpu.wait_indirect_dma semaphore(%arg15 : memref<!tpu.dma_semaphore, #tpu.memory_space<semaphore_mem>>) src(%dma_wait3A_101 : memref<10000x128xf32, #tpu.memory_space<hbm>>) dst(%arg12 : memref<128x128xf32, #tpu.memory_space<vmem>>)
          "tpu.region"() ({
            %run_scoped3A = tpu.sem_alloc : memref<!tpu.dma_semaphore, #tpu.memory_space<semaphore_mem>>
            %dma_start3A_102 = arith.constant 0 : i32
            %dma_start3A_103 = tpu.memref_slice %arg9[%rem3A_64, %dma_start3A_102] : memref<16x128xi32, #tpu.memory_space<vmem>> -> memref<1x128xi32, #tpu.memory_space<vmem>>
            %dma_start3A_104 = tpu.memref_squeeze %dma_start3A_103 : memref<1x128xi32, #tpu.memory_space<vmem>> -> memref<128xi32, #tpu.memory_space<vmem>>
            %dma_start3A_105 = arith.constant 0 : i32
            %dma_start3A_106 = arith.constant 0 : i32
            %dma_start3A_107 = tpu.memref_slice %arg13[%dma_start3A_105, %dma_start3A_106] : memref<10112x128xf32, #tpu.memory_space<vmem_shared>> -> memref<10112x128xf32, #tpu.memory_space<vmem_shared>>
            tpu.enqueue_indirect_dma source(%arg12 : memref<128x128xf32, #tpu.memory_space<vmem>>) target(%dma_start3A_107 : memref<10112x128xf32, #tpu.memory_space<vmem_shared>>) offsets(%dma_start3A_104 : memref<128xi32, #tpu.memory_space<vmem>>) semaphore(%run_scoped3A : memref<!tpu.dma_semaphore, #tpu.memory_space<semaphore_mem>>) {add = true}
            %dma_wait3A_108 = arith.constant 0 : i32
            %dma_wait3A_109 = tpu.memref_slice %arg9[%rem3A_64, %dma_wait3A_108] : memref<16x128xi32, #tpu.memory_space<vmem>> -> memref<1x128xi32, #tpu.memory_space<vmem>>
            %dma_wait3A_110 = tpu.memref_squeeze %dma_wait3A_109 : memref<1x128xi32, #tpu.memory_space<vmem>> -> memref<128xi32, #tpu.memory_space<vmem>>
            %dma_wait3A_111 = arith.constant 0 : i32
            %dma_wait3A_112 = arith.constant 0 : i32
            %dma_wait3A_113 = tpu.memref_slice %arg13[%dma_wait3A_111, %dma_wait3A_112] : memref<10112x128xf32, #tpu.memory_space<vmem_shared>> -> memref<10112x128xf32, #tpu.memory_space<vmem_shared>>
            tpu.wait_indirect_dma semaphore(%run_scoped3A : memref<!tpu.dma_semaphore, #tpu.memory_space<semaphore_mem>>) src(%arg12 : memref<128x128xf32, #tpu.memory_space<vmem>>) dst(%dma_wait3A_113 : memref<10112x128xf32, #tpu.memory_space<vmem_shared>>)
            tpu.yield
          }) : () -> ()
        } else {
        }
      } else {
      }
      %div3A_73 = arith.constant 16 : i32
      %div3A_74 = arith.divsi %scan3A_46, %div3A_73 : i32
      %rem3A_75 = arith.constant 2 : i32
      %rem3A_76 = arith.remsi %div3A_74, %rem3A_75 : i32
      %eq3A_77 = arith.constant 1 : i32
      %eq3A_78 = arith.cmpi eq, %rem3A_76, %eq3A_77 : i32
      %convert_element_type3A_79 = arith.extui %eq3A_78 : i1 to i32
      %cond3A_80 = arith.constant 0 : i32
      %cond3A_81 = arith.cmpi ne, %convert_element_type3A_79, %cond3A_80 : i32
      scf.if %cond3A_81 {
        %rem3A_82 = arith.constant 2 : i32
        %rem3A_83 = arith.remsi %scan3A_46, %rem3A_82 : i32
        %eq3A_84 = arith.constant 0 : i32
        %eq3A_85 = arith.cmpi eq, %rem3A_83, %eq3A_84 : i32
        %convert_element_type3A_86 = arith.extui %eq3A_85 : i1 to i32
        %cond3A_87 = arith.constant 0 : i32
        %cond3A_88 = arith.cmpi ne, %convert_element_type3A_86, %cond3A_87 : i32
        scf.if %cond3A_88 {
          %dma_wait3A_96 = arith.constant 0 : i32
          %dma_wait3A_97 = tpu.memref_slice %arg8[%rem3A_64, %dma_wait3A_96] : memref<16x128xi32, #tpu.memory_space<vmem>> -> memref<1x128xi32, #tpu.memory_space<vmem>>
          %dma_wait3A_98 = tpu.memref_squeeze %dma_wait3A_97 : memref<1x128xi32, #tpu.memory_space<vmem>> -> memref<128xi32, #tpu.memory_space<vmem>>
          %dma_wait3A_99 = arith.constant 0 : i32
          %dma_wait3A_100 = arith.constant 0 : i32
          %dma_wait3A_101 = tpu.memref_slice %arg2[%dma_wait3A_99, %dma_wait3A_100] : memref<10000x128xf32, #tpu.memory_space<hbm>> -> memref<10000x128xf32, #tpu.memory_space<hbm>>
          tpu.wait_indirect_dma semaphore(%arg14 : memref<!tpu.dma_semaphore, #tpu.memory_space<semaphore_mem>>) src(%dma_wait3A_101 : memref<10000x128xf32, #tpu.memory_space<hbm>>) dst(%arg11 : memref<128x128xf32, #tpu.memory_space<vmem>>)
          "tpu.region"() ({
            %run_scoped3A = tpu.sem_alloc : memref<!tpu.dma_semaphore, #tpu.memory_space<semaphore_mem>>
            %dma_start3A_102 = arith.constant 0 : i32
            %dma_start3A_103 = tpu.memref_slice %arg10[%rem3A_64, %dma_start3A_102] : memref<16x128xi32, #tpu.memory_space<vmem>> -> memref<1x128xi32, #tpu.memory_space<vmem>>
            %dma_start3A_104 = tpu.memref_squeeze %dma_start3A_103 : memref<1x128xi32, #tpu.memory_space<vmem>> -> memref<128xi32, #tpu.memory_space<vmem>>
            %dma_start3A_105 = arith.constant 0 : i32
            %dma_start3A_106 = arith.constant 0 : i32
            %dma_start3A_107 = tpu.memref_slice %arg13[%dma_start3A_105, %dma_start3A_106] : memref<10112x128xf32, #tpu.memory_space<vmem_shared>> -> memref<10112x128xf32, #tpu.memory_space<vmem_shared>>
            tpu.enqueue_indirect_dma source(%arg11 : memref<128x128xf32, #tpu.memory_space<vmem>>) target(%dma_start3A_107 : memref<10112x128xf32, #tpu.memory_space<vmem_shared>>) offsets(%dma_start3A_104 : memref<128xi32, #tpu.memory_space<vmem>>) semaphore(%run_scoped3A : memref<!tpu.dma_semaphore, #tpu.memory_space<semaphore_mem>>) {add = true}
            %dma_wait3A_108 = arith.constant 0 : i32
            %dma_wait3A_109 = tpu.memref_slice %arg10[%rem3A_64, %dma_wait3A_108] : memref<16x128xi32, #tpu.memory_space<vmem>> -> memref<1x128xi32, #tpu.memory_space<vmem>>
            %dma_wait3A_110 = tpu.memref_squeeze %dma_wait3A_109 : memref<1x128xi32, #tpu.memory_space<vmem>> -> memref<128xi32, #tpu.memory_space<vmem>>
            %dma_wait3A_111 = arith.constant 0 : i32
            %dma_wait3A_112 = arith.constant 0 : i32
            %dma_wait3A_113 = tpu.memref_slice %arg13[%dma_wait3A_111, %dma_wait3A_112] : memref<10112x128xf32, #tpu.memory_space<vmem_shared>> -> memref<10112x128xf32, #tpu.memory_space<vmem_shared>>
            tpu.wait_indirect_dma semaphore(%run_scoped3A : memref<!tpu.dma_semaphore, #tpu.memory_space<semaphore_mem>>) src(%arg11 : memref<128x128xf32, #tpu.memory_space<vmem>>) dst(%dma_wait3A_113 : memref<10112x128xf32, #tpu.memory_space<vmem_shared>>)
            tpu.yield
          }) : () -> ()
        } else {
        }
        %rem3A_89 = arith.constant 2 : i32
        %rem3A_90 = arith.remsi %scan3A_46, %rem3A_89 : i32
        %eq3A_91 = arith.constant 1 : i32
        %eq3A_92 = arith.cmpi eq, %rem3A_90, %eq3A_91 : i32
        %convert_element_type3A_93 = arith.extui %eq3A_92 : i1 to i32
        %cond3A_94 = arith.constant 0 : i32
        %cond3A_95 = arith.cmpi ne, %convert_element_type3A_93, %cond3A_94 : i32
        scf.if %cond3A_95 {
          %dma_wait3A_96 = arith.constant 0 : i32
          %dma_wait3A_97 = tpu.memref_slice %arg8[%rem3A_64, %dma_wait3A_96] : memref<16x128xi32, #tpu.memory_space<vmem>> -> memref<1x128xi32, #tpu.memory_space<vmem>>
          %dma_wait3A_98 = tpu.memref_squeeze %dma_wait3A_97 : memref<1x128xi32, #tpu.memory_space<vmem>> -> memref<128xi32, #tpu.memory_space<vmem>>
          %dma_wait3A_99 = arith.constant 0 : i32
          %dma_wait3A_100 = arith.constant 0 : i32
          %dma_wait3A_101 = tpu.memref_slice %arg2[%dma_wait3A_99, %dma_wait3A_100] : memref<10000x128xf32, #tpu.memory_space<hbm>> -> memref<10000x128xf32, #tpu.memory_space<hbm>>
          tpu.wait_indirect_dma semaphore(%arg15 : memref<!tpu.dma_semaphore, #tpu.memory_space<semaphore_mem>>) src(%dma_wait3A_101 : memref<10000x128xf32, #tpu.memory_space<hbm>>) dst(%arg12 : memref<128x128xf32, #tpu.memory_space<vmem>>)
          "tpu.region"() ({
            %run_scoped3A = tpu.sem_alloc : memref<!tpu.dma_semaphore, #tpu.memory_space<semaphore_mem>>
            %dma_start3A_102 = arith.constant 0 : i32
            %dma_start3A_103 = tpu.memref_slice %arg10[%rem3A_64, %dma_start3A_102] : memref<16x128xi32, #tpu.memory_space<vmem>> -> memref<1x128xi32, #tpu.memory_space<vmem>>
            %dma_start3A_104 = tpu.memref_squeeze %dma_start3A_103 : memref<1x128xi32, #tpu.memory_space<vmem>> -> memref<128xi32, #tpu.memory_space<vmem>>
            %dma_start3A_105 = arith.constant 0 : i32
            %dma_start3A_106 = arith.constant 0 : i32
            %dma_start3A_107 = tpu.memref_slice %arg13[%dma_start3A_105, %dma_start3A_106] : memref<10112x128xf32, #tpu.memory_space<vmem_shared>> -> memref<10112x128xf32, #tpu.memory_space<vmem_shared>>
            tpu.enqueue_indirect_dma source(%arg12 : memref<128x128xf32, #tpu.memory_space<vmem>>) target(%dma_start3A_107 : memref<10112x128xf32, #tpu.memory_space<vmem_shared>>) offsets(%dma_start3A_104 : memref<128xi32, #tpu.memory_space<vmem>>) semaphore(%run_scoped3A : memref<!tpu.dma_semaphore, #tpu.memory_space<semaphore_mem>>) {add = true}
            %dma_wait3A_108 = arith.constant 0 : i32
            %dma_wait3A_109 = tpu.memref_slice %arg10[%rem3A_64, %dma_wait3A_108] : memref<16x128xi32, #tpu.memory_space<vmem>> -> memref<1x128xi32, #tpu.memory_space<vmem>>
            %dma_wait3A_110 = tpu.memref_squeeze %dma_wait3A_109 : memref<1x128xi32, #tpu.memory_space<vmem>> -> memref<128xi32, #tpu.memory_space<vmem>>
            %dma_wait3A_111 = arith.constant 0 : i32
            %dma_wait3A_112 = arith.constant 0 : i32
            %dma_wait3A_113 = tpu.memref_slice %arg13[%dma_wait3A_111, %dma_wait3A_112] : memref<10112x128xf32, #tpu.memory_space<vmem_shared>> -> memref<10112x128xf32, #tpu.memory_space<vmem_shared>>
            tpu.wait_indirect_dma semaphore(%run_scoped3A : memref<!tpu.dma_semaphore, #tpu.memory_space<semaphore_mem>>) src(%arg12 : memref<128x128xf32, #tpu.memory_space<vmem>>) dst(%dma_wait3A_113 : memref<10112x128xf32, #tpu.memory_space<vmem_shared>>)
            tpu.yield
          }) : () -> ()
        } else {
        }
      } else {
      }
    }
    %scan3A_44 = arith.constant 80 : i32
    %barrier3A_45 = arith.constant 0 : index
    tpu.barrier barrier_id(%barrier3A_45)
    "tpu.region"() ({
      %run_scoped3A = tpu.sem_alloc : memref<!tpu.dma_semaphore, #tpu.memory_space<semaphore_mem>>
      %dma_start3A_46 = arith.constant 0 : i32
      %dma_start3A_47 = tpu.memref_slice %arg6[%arg0, %mul3A_2, %dma_start3A_46] : memref<2x10112x128xf32, #tpu.memory_space<hbm>> -> memref<1x632x128xf32, #tpu.memory_space<hbm>>
      %dma_start3A_48 = tpu.memref_squeeze %dma_start3A_47 : memref<1x632x128xf32, #tpu.memory_space<hbm>> -> memref<632x128xf32, #tpu.memory_space<hbm>>
      %dma_start3A_49 = arith.constant 0 : i32
      %dma_start3A_50 = tpu.memref_slice %arg13[%mul3A_2, %dma_start3A_49] : memref<10112x128xf32, #tpu.memory_space<vmem_shared>> -> memref<632x128xf32, #tpu.memory_space<vmem_shared>>
      tpu.enqueue_dma source(%dma_start3A_50 : memref<632x128xf32, #tpu.memory_space<vmem_shared>>) target(%dma_start3A_48 : memref<632x128xf32, #tpu.memory_space<hbm>>) target_semaphore(%run_scoped3A : memref<!tpu.dma_semaphore, #tpu.memory_space<semaphore_mem>>)
      %dma_wait3A_51 = arith.constant 0 : i32
      %dma_wait3A_52 = tpu.memref_slice %arg6[%arg0, %mul3A_2, %dma_wait3A_51] : memref<2x10112x128xf32, #tpu.memory_space<hbm>> -> memref<1x632x128xf32, #tpu.memory_space<hbm>>
      %dma_wait3A_53 = tpu.memref_squeeze %dma_wait3A_52 : memref<1x632x128xf32, #tpu.memory_space<hbm>> -> memref<632x128xf32, #tpu.memory_space<hbm>>
      %dma_wait3A_54 = arith.constant 0 : i32
      %dma_wait3A_55 = tpu.memref_slice %arg13[%mul3A_2, %dma_wait3A_54] : memref<10112x128xf32, #tpu.memory_space<vmem_shared>> -> memref<632x128xf32, #tpu.memory_space<vmem_shared>>
      tpu.wait_dma2 semaphore(%run_scoped3A : memref<!tpu.dma_semaphore, #tpu.memory_space<semaphore_mem>>) src(%dma_wait3A_55 : memref<632x128xf32, #tpu.memory_space<vmem_shared>>) dst(%dma_wait3A_53 : memref<632x128xf32, #tpu.memory_space<hbm>>)
      tpu.yield
    }) : () -> ()
    return
  }
}

module attributes {stable_mosaic.version = 14 : i64} {
  func.func @_sage_block(%arg0: i32, %arg1: memref<400x128xf32, #tpu.memory_space<vmem>>, %arg2: memref<2x400x128xf32, #tpu.memory_space<vmem>>, %arg3: memref<2x400x128xf32, #tpu.memory_space<vmem>>, %arg4: memref<128x4096xf32, #tpu.memory_space<vmem>>, %arg5: memref<128x4096xf32, #tpu.memory_space<vmem>>, %arg6: memref<1x4096xf32, #tpu.memory_space<vmem>>, %arg7: memref<4096x64xf32, #tpu.memory_space<vmem>>, %arg8: memref<4096x64xf32, #tpu.memory_space<vmem>>, %arg9: memref<400x128xf32, #tpu.memory_space<vmem>>) attributes {dimension_semantics = [#tpu.dimension_semantics<arbitrary>], iteration_bounds = array<i64: 25>, scalar_prefetch = 0 : i64, scratch_operands = 0 : i64, tpu.core_type = #tpu.core_type<tc>, window_params = [{transform_indices = @transform_0, window_bounds = array<i64: 400, 128>}, {transform_indices = @transform_1, window_bounds = array<i64: 2, 400, 128>}, {transform_indices = @transform_2, window_bounds = array<i64: 2, 400, 128>}, {pipeline_mode = #tpu.pipeline_mode<synchronous>, transform_indices = @transform_3, window_bounds = array<i64: 128, 4096>}, {pipeline_mode = #tpu.pipeline_mode<synchronous>, transform_indices = @transform_4, window_bounds = array<i64: 128, 4096>}, {pipeline_mode = #tpu.pipeline_mode<synchronous>, transform_indices = @transform_5, window_bounds = array<i64: 1, 4096>}, {pipeline_mode = #tpu.pipeline_mode<synchronous>, transform_indices = @transform_6, window_bounds = array<i64: 4096, 64>}, {pipeline_mode = #tpu.pipeline_mode<synchronous>, transform_indices = @transform_7, window_bounds = array<i64: 4096, 64>}, {transform_indices = @transform_8, window_bounds = array<i64: 400, 128>}]} {
    %get3A = arith.constant 0 : index
    %get3A_0 = arith.constant 0 : index
    %get3A_1 = arith.constant 0 : index
    %get3A_2 = vector.load %arg3[%get3A, %get3A_0, %get3A_1] : memref<2x400x128xf32, #tpu.memory_space<vmem>>, vector<1x400x128xf32>
    %get3A_3 = vector.shape_cast %get3A_2 : vector<1x400x128xf32> to vector<400x128xf32>
    %get3A_4 = arith.constant 1 : index
    %get3A_5 = arith.constant 0 : index
    %get3A_6 = arith.constant 0 : index
    %get3A_7 = vector.load %arg3[%get3A_4, %get3A_5, %get3A_6] : memref<2x400x128xf32, #tpu.memory_space<vmem>>, vector<1x400x128xf32>
    %get3A_8 = vector.shape_cast %get3A_7 : vector<1x400x128xf32> to vector<400x128xf32>
    %add3A = arith.addf %get3A_3, %get3A_8 : vector<400x128xf32>
    %max3A = arith.constant 1.000000e+00 : f32
    %max3A_9 = vector.broadcast %max3A : f32 to vector<400x128xf32>
    %max3A_10 = arith.maximumf %add3A, %max3A_9 : vector<400x128xf32>
    %get3A_11 = arith.constant 0 : index
    %get3A_12 = arith.constant 0 : index
    %get3A_13 = arith.constant 0 : index
    %get3A_14 = vector.load %arg2[%get3A_11, %get3A_12, %get3A_13] : memref<2x400x128xf32, #tpu.memory_space<vmem>>, vector<1x400x128xf32>
    %get3A_15 = vector.shape_cast %get3A_14 : vector<1x400x128xf32> to vector<400x128xf32>
    %get3A_16 = arith.constant 1 : index
    %get3A_17 = arith.constant 0 : index
    %get3A_18 = arith.constant 0 : index
    %get3A_19 = vector.load %arg2[%get3A_16, %get3A_17, %get3A_18] : memref<2x400x128xf32, #tpu.memory_space<vmem>>, vector<1x400x128xf32>
    %get3A_20 = vector.shape_cast %get3A_19 : vector<1x400x128xf32> to vector<400x128xf32>
    %add3A_21 = arith.addf %get3A_15, %get3A_20 : vector<400x128xf32>
    %div3A = arith.divf %add3A_21, %max3A_10 : vector<400x128xf32>
    %get3A_22 = arith.constant 0 : index
    %get3A_23 = arith.constant 0 : index
    %get3A_24 = vector.load %arg4[%get3A_22, %get3A_23] : memref<128x4096xf32, #tpu.memory_space<vmem>>, vector<128x4096xf32>
    %dot_general3A = arith.constant dense<0.000000e+00> : vector<400x4096xf32>
    %dot_general3A_25 = tpu.matmul %div3A, %get3A_24, %dot_general3A {dimension_numbers = #tpu.dot_dimension_numbers<[1], [0], [0], [1], [0, 0, 1, 1], [], []>, transpose_lhs_hint = false} : vector<400x128xf32>, vector<128x4096xf32>, vector<400x4096xf32> -> vector<400x4096xf32>
    %get3A_26 = arith.constant 0 : index
    %get3A_27 = arith.constant 0 : index
    %get3A_28 = vector.load %arg1[%get3A_26, %get3A_27] : memref<400x128xf32, #tpu.memory_space<vmem>>, vector<400x128xf32>
    %get3A_29 = arith.constant 0 : index
    %get3A_30 = arith.constant 0 : index
    %get3A_31 = vector.load %arg5[%get3A_29, %get3A_30] : memref<128x4096xf32, #tpu.memory_space<vmem>>, vector<128x4096xf32>
    %dot_general3A_32 = arith.constant dense<0.000000e+00> : vector<400x4096xf32>
    %dot_general3A_33 = tpu.matmul %get3A_28, %get3A_31, %dot_general3A_32 {dimension_numbers = #tpu.dot_dimension_numbers<[1], [0], [0], [1], [0, 0, 1, 1], [], []>, transpose_lhs_hint = false} : vector<400x128xf32>, vector<128x4096xf32>, vector<400x4096xf32> -> vector<400x4096xf32>
    %add3A_34 = arith.addf %dot_general3A_25, %dot_general3A_33 : vector<400x4096xf32>
    %get3A_35 = arith.constant 0 : index
    %get3A_36 = arith.constant 0 : index
    %get3A_37 = vector.load %arg6[%get3A_35, %get3A_36] : memref<1x4096xf32, #tpu.memory_space<vmem>>, vector<1x4096xf32>
    %add3A_38 = vector.broadcast %get3A_37 : vector<1x4096xf32> to vector<400x4096xf32>
    %add3A_39 = arith.addf %add3A_34, %add3A_38 : vector<400x4096xf32>
    %max3A_40 = arith.constant 0.000000e+00 : f32
    %max3A_41 = vector.broadcast %max3A_40 : f32 to vector<400x4096xf32>
    %max3A_42 = arith.maximumf %add3A_39, %max3A_41 : vector<400x4096xf32>
    %get3A_43 = arith.constant 0 : index
    %get3A_44 = arith.constant 0 : index
    %get3A_45 = vector.load %arg7[%get3A_43, %get3A_44] : memref<4096x64xf32, #tpu.memory_space<vmem>>, vector<4096x64xf32>
    %dot_general3A_46 = arith.constant dense<0.000000e+00> : vector<400x64xf32>
    %dot_general3A_47 = tpu.matmul %max3A_42, %get3A_45, %dot_general3A_46 {dimension_numbers = #tpu.dot_dimension_numbers<[1], [0], [0], [1], [0, 0, 1, 1], [], []>, transpose_lhs_hint = false} : vector<400x4096xf32>, vector<4096x64xf32>, vector<400x64xf32> -> vector<400x64xf32>
    %get3A_48 = arith.constant 0 : index
    %get3A_49 = arith.constant 0 : index
    %get3A_50 = vector.load %arg8[%get3A_48, %get3A_49] : memref<4096x64xf32, #tpu.memory_space<vmem>>, vector<4096x64xf32>
    %dot_general3A_51 = arith.constant dense<0.000000e+00> : vector<400x64xf32>
    %dot_general3A_52 = tpu.matmul %max3A_42, %get3A_50, %dot_general3A_51 {dimension_numbers = #tpu.dot_dimension_numbers<[1], [0], [0], [1], [0, 0, 1, 1], [], []>, transpose_lhs_hint = false} : vector<400x4096xf32>, vector<4096x64xf32>, vector<400x64xf32> -> vector<400x64xf32>
    %concatenate3A = tpu.concatenate %dot_general3A_47, %dot_general3A_52 in 1 : vector<400x64xf32>, vector<400x64xf32> -> vector<400x128xf32>
    %swap3A = arith.constant 0 : index
    %swap3A_53 = arith.constant 0 : index
    %swap3A_54 = vector.load %arg9[%swap3A, %swap3A_53] : memref<400x128xf32, #tpu.memory_space<vmem>>, vector<400x128xf32>
    tpu.vector_store %arg9[%swap3A, %swap3A_53], %concatenate3A {strides = array<i32>} : memref<400x128xf32, #tpu.memory_space<vmem>>, vector<400x128xf32>,
    return
  }
  func.func @transform_0(%arg0: i32) -> (i32, i32) {
    %c0_i32 = arith.constant 0 : i32
    %c0_i32_0 = arith.constant 0 : i32
    return %arg0, %c0_i32 : i32, i32
  }
  func.func @transform_1(%arg0: i32) -> (i32, i32, i32) {
    %c0_i32 = arith.constant 0 : i32
    %c0_i32_0 = arith.constant 0 : i32
    %c0_i32_1 = arith.constant 0 : i32
    return %c0_i32, %arg0, %c0_i32_0 : i32, i32, i32
  }
  func.func @transform_2(%arg0: i32) -> (i32, i32, i32) {
    %c0_i32 = arith.constant 0 : i32
    %c0_i32_0 = arith.constant 0 : i32
    %c0_i32_1 = arith.constant 0 : i32
    return %c0_i32, %arg0, %c0_i32_0 : i32, i32, i32
  }
  func.func @transform_3(%arg0: i32) -> (i32, i32) {
    %c0_i32 = arith.constant 0 : i32
    %c0_i32_0 = arith.constant 0 : i32
    %c0_i32_1 = arith.constant 0 : i32
    return %c0_i32, %c0_i32_0 : i32, i32
  }
  func.func @transform_4(%arg0: i32) -> (i32, i32) {
    %c0_i32 = arith.constant 0 : i32
    %c0_i32_0 = arith.constant 0 : i32
    %c0_i32_1 = arith.constant 0 : i32
    return %c0_i32, %c0_i32_0 : i32, i32
  }
  func.func @transform_5(%arg0: i32) -> (i32, i32) {
    %c0_i32 = arith.constant 0 : i32
    %c0_i32_0 = arith.constant 0 : i32
    %c0_i32_1 = arith.constant 0 : i32
    return %c0_i32, %c0_i32_0 : i32, i32
  }
  func.func @transform_6(%arg0: i32) -> (i32, i32) {
    %c0_i32 = arith.constant 0 : i32
    %c0_i32_0 = arith.constant 0 : i32
    %c0_i32_1 = arith.constant 0 : i32
    return %c0_i32, %c0_i32_0 : i32, i32
  }
  func.func @transform_7(%arg0: i32) -> (i32, i32) {
    %c0_i32 = arith.constant 0 : i32
    %c0_i32_0 = arith.constant 0 : i32
    %c0_i32_1 = arith.constant 0 : i32
    return %c0_i32, %c0_i32_0 : i32, i32
  }
  func.func @transform_8(%arg0: i32) -> (i32, i32) {
    %c0_i32 = arith.constant 0 : i32
    %c0_i32_0 = arith.constant 0 : i32
    return %arg0, %c0_i32 : i32, i32
  }
}

module attributes {stable_mosaic.version = 14 : i64} {
  func.func @_out_block(%arg0: i32, %arg1: memref<2x400x128xf32, #tpu.memory_space<vmem>>, %arg2: memref<400x128xf32, #tpu.memory_space<vmem>>, %arg3: memref<2x400x128xf32, #tpu.memory_space<vmem>>, %arg4: memref<1x64xf32, #tpu.memory_space<vmem>>, %arg5: memref<400x64xf32, #tpu.memory_space<vmem>>) attributes {dimension_semantics = [#tpu.dimension_semantics<arbitrary>], iteration_bounds = array<i64: 25>, scalar_prefetch = 0 : i64, scratch_operands = 0 : i64, tpu.core_type = #tpu.core_type<tc>, window_params = [{transform_indices = @transform_0, window_bounds = array<i64: 2, 400, 128>}, {transform_indices = @transform_1, window_bounds = array<i64: 400, 128>}, {transform_indices = @transform_2, window_bounds = array<i64: 2, 400, 128>}, {pipeline_mode = #tpu.pipeline_mode<synchronous>, transform_indices = @transform_3, window_bounds = array<i64: 1, 64>}, {transform_indices = @transform_4, window_bounds = array<i64: 400, 64>}]} {
    %get3A = arith.constant 0 : index
    %get3A_0 = arith.constant 0 : index
    %get3A_1 = arith.constant 0 : index
    %get3A_2 = vector.load %arg3[%get3A, %get3A_0, %get3A_1] : memref<2x400x128xf32, #tpu.memory_space<vmem>>, vector<1x400x128xf32>
    %get3A_3 = vector.shape_cast %get3A_2 : vector<1x400x128xf32> to vector<400x128xf32>
    %get3A_4 = arith.constant 1 : index
    %get3A_5 = arith.constant 0 : index
    %get3A_6 = arith.constant 0 : index
    %get3A_7 = vector.load %arg3[%get3A_4, %get3A_5, %get3A_6] : memref<2x400x128xf32, #tpu.memory_space<vmem>>, vector<1x400x128xf32>
    %get3A_8 = vector.shape_cast %get3A_7 : vector<1x400x128xf32> to vector<400x128xf32>
    %add3A = arith.addf %get3A_3, %get3A_8 : vector<400x128xf32>
    %max3A = arith.constant 1.000000e+00 : f32
    %max3A_9 = vector.broadcast %max3A : f32 to vector<400x128xf32>
    %max3A_10 = arith.maximumf %add3A, %max3A_9 : vector<400x128xf32>
    %get3A_11 = arith.constant 0 : index
    %get3A_12 = arith.constant 0 : index
    %get3A_13 = arith.constant 0 : index
    %get3A_14 = vector.load %arg1[%get3A_11, %get3A_12, %get3A_13] : memref<2x400x128xf32, #tpu.memory_space<vmem>>, vector<1x400x128xf32>
    %get3A_15 = vector.shape_cast %get3A_14 : vector<1x400x128xf32> to vector<400x128xf32>
    %get3A_16 = arith.constant 1 : index
    %get3A_17 = arith.constant 0 : index
    %get3A_18 = arith.constant 0 : index
    %get3A_19 = vector.load %arg1[%get3A_16, %get3A_17, %get3A_18] : memref<2x400x128xf32, #tpu.memory_space<vmem>>, vector<1x400x128xf32>
    %get3A_20 = vector.shape_cast %get3A_19 : vector<1x400x128xf32> to vector<400x128xf32>
    %add3A_21 = arith.addf %get3A_15, %get3A_20 : vector<400x128xf32>
    %div3A = arith.divf %add3A_21, %max3A_10 : vector<400x128xf32>
    %slice3A = vector.extract_strided_slice %div3A {offsets = [0, 0], sizes = [400, 64], strides = [1, 1]} : vector<400x128xf32> to vector<400x64xf32>
    %get3A_22 = arith.constant 0 : index
    %get3A_23 = arith.constant 0 : index
    %get3A_24 = vector.load %arg2[%get3A_22, %get3A_23] : memref<400x128xf32, #tpu.memory_space<vmem>>, vector<400x128xf32>
    %slice3A_25 = vector.extract_strided_slice %get3A_24 {offsets = [0, 64], sizes = [400, 64], strides = [1, 1]} : vector<400x128xf32> to vector<400x64xf32>
    %add3A_26 = arith.addf %slice3A, %slice3A_25 : vector<400x64xf32>
    %get3A_27 = arith.constant 0 : index
    %get3A_28 = arith.constant 0 : index
    %get3A_29 = vector.load %arg4[%get3A_27, %get3A_28] : memref<1x64xf32, #tpu.memory_space<vmem>>, vector<1x64xf32>
    %add3A_30 = vector.broadcast %get3A_29 : vector<1x64xf32> to vector<400x64xf32>
    %add3A_31 = arith.addf %add3A_26, %add3A_30 : vector<400x64xf32>
    %reduce_max3A = arith.constant dense<0xFF800000> : vector<400xf32>
    %reduce_max3A_32 = vector.multi_reduction <maximumf>, %add3A_31, %reduce_max3A [1] : vector<400x64xf32> to vector<400xf32>
    %broadcast_in_dim3A = vector.shape_cast %reduce_max3A_32 : vector<400xf32> to vector<400x1xf32>
    %sub3A = vector.broadcast %broadcast_in_dim3A : vector<400x1xf32> to vector<400x64xf32>
    %sub3A_33 = arith.subf %add3A_31, %sub3A : vector<400x64xf32>
    %exp3A = math.exp %sub3A_33 : vector<400x64xf32>
    %reduce_sum3A = arith.constant dense<0.000000e+00> : vector<400xf32>
    %reduce_sum3A_34 = vector.multi_reduction <add>, %exp3A, %reduce_sum3A [1] : vector<400x64xf32> to vector<400xf32>
    %broadcast_in_dim3A_35 = vector.shape_cast %reduce_sum3A_34 : vector<400xf32> to vector<400x1xf32>
    %log3A = math.log %broadcast_in_dim3A_35 : vector<400x1xf32>
    %sub3A_36 = vector.broadcast %log3A : vector<400x1xf32> to vector<400x64xf32>
    %sub3A_37 = arith.subf %sub3A_33, %sub3A_36 : vector<400x64xf32>
    %swap3A = arith.constant 0 : index
    %swap3A_38 = arith.constant 0 : index
    %swap3A_39 = vector.load %arg5[%swap3A, %swap3A_38] : memref<400x64xf32, #tpu.memory_space<vmem>>, vector<400x64xf32>
    tpu.vector_store %arg5[%swap3A, %swap3A_38], %sub3A_37 {strides = array<i32>} : memref<400x64xf32, #tpu.memory_space<vmem>>, vector<400x64xf32>,
    return
  }
  func.func @transform_0(%arg0: i32) -> (i32, i32, i32) {
    %c0_i32 = arith.constant 0 : i32
    %c0_i32_0 = arith.constant 0 : i32
    %c0_i32_1 = arith.constant 0 : i32
    return %c0_i32, %arg0, %c0_i32_0 : i32, i32, i32
  }
  func.func @transform_1(%arg0: i32) -> (i32, i32) {
    %c0_i32 = arith.constant 0 : i32
    %c0_i32_0 = arith.constant 0 : i32
    return %arg0, %c0_i32 : i32, i32
  }
  func.func @transform_2(%arg0: i32) -> (i32, i32, i32) {
    %c0_i32 = arith.constant 0 : i32
    %c0_i32_0 = arith.constant 0 : i32
    %c0_i32_1 = arith.constant 0 : i32
    return %c0_i32, %arg0, %c0_i32_0 : i32, i32, i32
  }
  func.func @transform_3(%arg0: i32) -> (i32, i32) {
    %c0_i32 = arith.constant 0 : i32
    %c0_i32_0 = arith.constant 0 : i32
    %c0_i32_1 = arith.constant 0 : i32
    return %c0_i32, %c0_i32_0 : i32, i32
  }
  func.func @transform_4(%arg0: i32) -> (i32, i32) {
    %c0_i32 = arith.constant 0 : i32
    %c0_i32_0 = arith.constant 0 : i32
    return %arg0, %c0_i32 : i32, i32
  }
}

</mosaic_0001>

<sc_bundles>
// kernel: kernel.6.cloned.1.call-start
scs
__scs_entry_jumppad:
0x0: {  	(pc) =	sbr.rel $0x88, $3  }
0x1: {  	(tag) =	ssettag $0x0;
	lr =	simm.s32 $0x1  }
0x2: {  	[smem:$0x3F99] =	sst lr;
	_ =	strace $0xD0000000  }
0x3: {  	_ = 	snop  }
0x4: {  	_ = 	snop  }
0x5: {  	_ = 	snop  }
0x6: {  	_ = 	snop  }
0x7: {  	_ = 	snop  }
__scs_overlays_trampoline_lowered:
0x8: {  	[smem:$0x3FA8] =	sst s0  }
0x9: {  	[smem:$0x3FA9] =	sst s1  }
0xa: {  	[smem:$0x3FAA] =	sst s2  }
0xb: {  	[smem:$0x3FAB] =	sst s3  }
0xc: {  	[smem:$0x3FAC] =	sst s4  }
0xd: {  	[smem:$0x3FAD] =	sst s5  }
0xe: {  	[smem:$0x3FAE] =	sst s6  }
0xf: {  	[smem:$0x3FAF] =	sst s7  }
0x10: {  	[smem:$0x3FB0] =	sst s8  }
0x11: {  	[smem:$0x3FB1] =	sst s9;
	s0 =	simm.s32 @!p0 $0x0  }
0x12: {  	s1 =	sld [smem:$0x3F97];
	s0 =	simm.s32 @p0 $0x1  }
0x13: {  	[smem:$0x3FB2] =	sst s0;
	s0 =	simm.s32 @!p1 $0x0  }
0x14: {  	s2 =	sld [smem:$0x3F96];
	s0 =	simm.s32 @p1 $0x1  }
0x15: {  	[smem:$0x3FB3] =	sst s0;
	s0 =	simm.s32 @!p2 $0x0  }
0x16: {  	s3 =	sld [smem:$0x3FDB];
	s0 =	simm.s32 @p2 $0x1  }
0x17: {  	s4 =	simm.s32 $0x1BF5;
	[smem:$0x3FB5] =	sst s0  }
0x18: {  	s0 =	sld [smem:$0x3F98];
	_ =	swait.ge [sflag:s4], $0x0  }
0x19: {  	s7 =	sld [smem:$0x3F99]  }
0x1a: {  	s8 =	sadd.s32 $0xFFFFE003, lr  }
0x1b: {  	s9 =	sadd.s32 $0xFFFFFEF7, lr;
	s5 =	simm.s32 $0xFFFFFFFF;
	p2 =	slt.u32 s8, $0xFFFFF086  }
0x1c: {  	p1 =	slt.u32 s9, $0xF7A;
	s5 =	simm.s32 @!p2 $0x0  }
0x1d: {  	s5 =	simm.s32 @p1 $0x1;
	p0 =	seq.s32 s7, s2  }
0x1e: {  	s7 =	smul.u32 @!p0 $0xF7A, s2;
	p2 =	seq.s32 @!p0 s5, $0x0  }
0x1f: {  	s9 =	smul.u32 $0xF7A, s1;
	s8 =	simm.s32 @!p0 $0x1BF5;
	p2 =	por !p2, p0  }
0x20: {  	[sflag:s8] =	ssyncset.s32 @!p0 $0xFFFFF086;
	s6 =	sadd.s32 @!p0 s3, s7;
	s7 =	simm.s32 @!p0 $0x108  }
0x21: {  	s3 =	sadd.s32 s3, s9;
	s6 =	sadd.s32 @!p0 $0x88, s6;
	s7 =	simm.s32 @p2 $0x1082  }
0x22: {  	[simem:s7], [sflag:s8] =	dma.local @!p0 [hbm:s6], $0xF7A  }
0x23: {  	s9 =	sor.u32 $0xD0000000, s2;
	s6 =	simm.s32 $0x108;
	_ =	swait.ge @!p0 [sflag:s8], $0x0  }
0x24: {  	s3 =	sadd.s32 $0x88, s3;
	s6 =	simm.s32 @!p1 $0x1082;
	[sflag:s4] =	ssyncset.s32 $0xFFFFF086  }
0x25: {  	[simem:s6], [sflag:s4] =	dma.local [hbm:s3], $0xF7A  }
0x26: {  	[smem:$0x3F99] =	sst s1;
	(tag) =	ssettag s2;
	_ =	strace s9  }
0x27: {  	s1 =	sld [smem:$0x3FA9]  }
0x28: {  	s2 =	sld [smem:$0x3FAA]  }
0x29: {  	s4 =	sld [smem:$0x3FAC]  }
0x2a: {  	p0 =	seq.s32 s5, $0x0;
	s5 =	sld [smem:$0x3FAD]  }
0x2b: {  	s6 =	sld [smem:$0x3FAE]  }
0x2c: {  	s7 =	sld [smem:$0x3FAF]  }
0x2d: {  	s3 =	simm.s32 $0x108;
	s8 =	sld [smem:$0x3FB0]  }
0x2e: {  	s3 =	simm.s32 @!p0 $0x1082;
	s9 =	sld [smem:$0x3FB1]  }
0x2f: {  	lr =	sadd.s32 s0, s3;
	s0 =	sld [smem:$0x3FA8]  }
0x30: {  	s3 =	sld [smem:$0x3FAB]  }
0x31: {  	[smem:$0x3FB4] =	sst s10  }
0x32: {  	s10 =	sld [smem:$0x3FB2];
	_ =	sdelay $0x3  }
0x33: {  	p0 =	seq.s32 s10, $0x1;
	s10 =	sld [smem:$0x3FB4];
	_ =	sdelay $0x3  }
0x34: {  	[smem:$0x3FB4] =	sst s10  }
0x35: {  	s10 =	sld [smem:$0x3FB3];
	_ =	sdelay $0x3  }
0x36: {  	p1 =	seq.s32 s10, $0x1;
	s10 =	sld [smem:$0x3FB4];
	_ =	sdelay $0x3  }
0x37: {  	[smem:$0x3FB4] =	sst s10  }
0x38: {  	s10 =	sld [smem:$0x3FB5]  }
0x39: {  	_ = 	snop;
	(pc) =	sbr.ind lr, $3  }
0x3a: {  	_ = 	snop  }
0x3b: {  	_ = 	snop  }
0x3c: {  	p2 =	seq.s32 s10, $0x1;
	s10 =	sld [smem:$0x3FB4]  }
0x3d: {  	_ =	shalt  }
0x3e: {  	_ =	shalt  }
0x3f: {  	_ =	shalt  }
0x40: {  	_ =	shalt  }
0x41: {  	_ =	shalt  }
0x42: {  	_ =	shalt  }
0x43: {  	_ =	shalt  }
0x44: {  	_ =	shalt  }
0x45: {  	_ =	shalt  }
0x46: {  	_ =	shalt  }
0x47: {  	_ =	shalt  }
0x48: {  	_ =	shalt  }
0x49: {  	_ =	shalt  }
0x4a: {  	_ =	shalt  }
0x4b: {  	_ =	shalt  }
0x4c: {  	_ =	shalt  }
0x4d: {  	_ =	shalt  }
0x4e: {  	_ =	shalt  }
0x4f: {  	_ =	shalt  }
0x50: {  	_ =	shalt  }
0x51: {  	_ =	shalt  }
0x52: {  	_ =	shalt  }
0x53: {  	_ =	shalt  }
0x54: {  	_ =	shalt  }
0x55: {  	_ =	shalt  }
0x56: {  	_ =	shalt  }
0x57: {  	_ =	shalt  }
0x58: {  	_ =	shalt  }
0x59: {  	_ =	shalt  }
0x5a: {  	_ =	shalt  }
0x5b: {  	_ =	shalt  }
0x5c: {  	_ =	shalt  }
0x5d: {  	_ =	shalt  }
0x5e: {  	_ =	shalt  }
0x5f: {  	_ =	shalt  }
0x60: {  	_ =	shalt  }
0x61: {  	_ =	shalt  }
0x62: {  	_ =	shalt  }
0x63: {  	_ =	shalt  }
0x64: {  	_ =	shalt  }
0x65: {  	_ =	shalt  }
0x66: {  	_ =	shalt  }
0x67: {  	_ =	shalt  }
0x68: {  	_ =	shalt  }
0x69: {  	_ =	shalt  }
0x6a: {  	_ =	shalt  }
0x6b: {  	_ =	shalt  }
0x6c: {  	_ =	shalt  }
0x6d: {  	_ =	shalt  }
0x6e: {  	_ =	shalt  }
0x6f: {  	_ =	shalt  }
0x70: {  	_ =	shalt  }
0x71: {  	_ =	shalt  }
0x72: {  	_ =	shalt  }
0x73: {  	_ =	shalt  }
0x74: {  	_ =	shalt  }
0x75: {  	_ =	shalt  }
0x76: {  	_ =	shalt  }
0x77: {  	_ =	shalt  }
0x78: {  	_ =	shalt  }
0x79: {  	_ =	shalt  }
0x7a: {  	_ =	shalt  }
0x7b: {  	_ =	shalt  }
0x7c: {  	_ =	shalt  }
0x7d: {  	_ =	shalt  }
0x7e: {  	_ =	shalt  }
0x7f: {  	_ =	shalt  }
0x80: {  	_ =	shalt  }
0x81: {  	_ =	shalt  }
0x82: {  	_ =	shalt  }
0x83: {  	_ =	shalt  }
0x84: {  	_ =	shalt  }
0x85: {  	_ =	shalt  }
0x86: {  	_ =	shalt  }
0x87: {  	_ =	shalt  }
.Lfunc_end0:
.L_simem_size_0:
called_computation_lowered:
.L_overlay_start_0:
0x88: {  	s2 =	sld [smem:$0x3FD9]  }
0x89: {  	s3 =	sld [smem:$0x3FFE];
	_ =	sdelay $0x1  }
0x8a: {  	s1 =	srdreg.scid  }
0x8b: {  	s0 =	sand.u32 $0x1, s1  }
0x8c: {  	s17 =	sshll.u32 s0, $0xA;
	s2 =	sadd.s32 s3, s2  }
0x8d: {  	s2 =	sadd.s32 s2, s17  }
0x8e: {  	[smem:$0x3FC0] =	sst s2  }
0x8f: {  	_ = 	snop  }
0x90: {  	s2 =	sld [smem:$0x3FC9]  }
0x91: {  	s18 =	sld [smem:$0x3FD0];
	(tm) =	ssettm $0x1  }
0x92: {  	s4 =	sld [smem:$0x3FFB];
	_ =	sdelay $0x3  }
0x93: {  	_ =	strace s4  }
0x94: {  	s4 =	sld [smem:$0x3FFC];
	_ =	sdelay $0x3  }
0x95: {  	_ =	strace s4  }
0x96: {  	s4 =	sld [smem:$0x3FFD];
	_ =	sdelay $0x3  }
0x97: {  	_ =	strace s4  }
0x98: {  	_ =	strace $0x8FFFFFFF  }
0x99: {  	s19 =	sld [smem:$0x3FDB];
	_ =	sdelay $0x1  }
0x9a: {  	s5 =	simm.s32 $_scs_section_size  }
0x9b: {  	s6 =	simm.s32 $_size__tile_overlayer_lowered;
	s7 =	simm.s32 $_tile_overlayer_lowered  }
0x9c: {  	s22 =	simm.s32 $0x1BFF;
	s21 =	sshll.u32 s7, $0x1;
	s4 =	sadd.s32 s5, s19  }
0x9d: {  	s8 =	simm.s32 $0x0;
	s20 =	sshll.u32 s6, $0x1;
	s6 =	sadd.s32 s21, s4  }
0x9e: {  	[timem:s8], [sflag:s22] =	dma.local [hbm:s6], s20  }
0x9f: {  	_ =	swait.ge [sflag:s22], s20  }
0xa0: {  	s5 =	ssub.s32 $0x0, s20;
	[sflag:s22] =	ssyncset.done $0x0  }
0xa1: {  	[sflag:s22] =	ssyncadd.s32 s5;
	_ =	sdelay $0x1  }
0xa2: {  	s23 =	simm.s32 $0x1B8B  }
0xa3: {  	_ =	swait.ge [sflag:s23], $0x1  }
0xa4: {  	[sflag:s23] =	ssyncset.done $0x0  }
0xa5: {  	s25 =	simm.s32 $0x1B8E;
	s24 =	sld [smem:$0x3FFE];
	[sflag:s23] =	ssyncadd.s32 $0xFFFFFFFF  }
0xa6: {  	s26 =	simm.s32 $execute0_lowered;
	[smem:$0x3FD2] =	sst s25  }
0xa7: {  	s6 =	sshll.u32 s26, $0x1;
	_ =	strace $0x80000046;
	[dreg:$0x1] =	wrdreg $0xFFFFFFFF  }
0xa8: {  	s28 =	simm.s32 $_size_execute0_lowered;
	s4 =	sadd.s32 s4, s6;
	[dreg:$0x0] =	wrdreg $0x0  }
0xa9: {  	s6 =	sshll.u32 s28, $0x1;
	[dreg:$0x2] =	wrdreg s4  }
0xaa: {  	[dreg:$0x3] =	wrdreg s6  }
0xab: {  	[dreg:$0x4] =	wrdreg $0xC0  }
0xac: {  	_ =	task [dreg:s8], $0x5FFFF  }
0xad: {  	[dreg:$0x1] =	wrdreg $0xFFFFFFFF  }
0xae: {  	[dreg:$0x0] =	wrdreg $0x60  }
0xaf: {  	[dreg:$0x2] =	wrdreg s2  }
0xb0: {  	[dreg:$0x3] =	wrdreg s18  }
0xb1: {  	[dreg:$0x4] =	wrdreg s24  }
0xb2: {  	[dreg:$0x5] =	wrdreg $0xA0000  }
0xb3: {  	[dreg:$0x6] =	wrdreg $0x9  }
0xb4: {  	_ =	task.clear_ibuf [dreg:s8], $0x7FFFF;
	_ =	strace $0x90000046  }
0xb5: {  	s29 =	simm.s32 $0x9;
	_ =	strace $0x80000048  }
0xb6: {  	_ =	swait.ge [sflag:s29], $0x1  }
0xb7: {  	[sflag:s29] =	ssyncadd.s32 $0xFFFFFFFF  }
0xb8: {  	_ =	strace $0x90000048  }
0xb9: {  	_ =	sfence  }
0xba: {  	s30 =	sld [smem:$0x0];
	_ =	sdelay $0x2  }
0xbb: {  	s31 =	sshll.u32 s1, $0xD;
	s1 =	sshrl.u32 s1, $0x2  }
0xbc: {  	s3 =	sand.u32 $0x4000, s31;
	s1 =	sadd.s32 s1, s30  }
0xbd: {  	s0 =	sor.u32 s3, s0;
	s1 =	sshll.u32 s1, $0x11  }
0xbe: {  	s0 =	sor.u32 s1, s0  }
0xbf: {  	s0 =	sadd.s32 $0x8F2B, s0  }
0xc0: {  	[sflag:s0] =	ssyncadd.remote.s32 $0x1  }
0xc1: {  	_ =	sfence.sel $0xFFFF  }
0xc2: {  	[dreg:$0x0] =	wrdreg $0xFFFFFFFF;
	(pc) =	sbr.abs _section_cstart, $3  }
0xc3: {  	[dreg:$0x1] =	wrdreg $0xFFFFFFFF  }
0xc4: {  	_ =	task.clear_ibuf [dreg:s8], $0x2FFFF;
	_ =	strace $0x9FFFFFFF  }
0xc5: {  	(tm) =	ssettm $0x7FFFFFFF  }
tec
execute0_lowered:
.L_overlay_start_1:
0x0: {  	(tag) =	ssettag $0x1  }
0x1: {  	s1 =	rddreg [dreg:$0x0]  }
0x2: {  	s2 =	rddreg [dreg:$0x1]  }
0x3: {  	s0 =	rddreg [dreg:$0x2]  }
0x4: {  	s3 =	rddreg [dreg:$0x3]  }
0x5: {  	s4 =	srdreg.scid;
	s5 =	simm.s32 $0x0;
	s14 =	stileid.u32  }
0x6: {  	s28 =	simm.s32 $0x800;
	s29 =	simm.s32 $0x1800;
	s30 =	simm.s32 $0x0  }
0x7: {  	s4 =	sand.u32 $0x1, s4;
	[smem:$0x7FF] =	sst s5;
	s9 =	smul.u32 $0x13C00, s14  }
0x8: {  	s6 =	sadd.s32 $0x1E00, s0;
	s7 =	sadd.s32 $0xC600, s0;
	s11 =	smul.u32 $0x4F000, s14  }
0x9: {  	s10 =	sadd.s32 $0xBE00, s0;
	s18 =	sshll.u32 s14, $0x1;
	s13 =	smul.u32 $0x5000, s14  }
0xa: {  	s22 =	sshll.u32 s14, $0x6;
	s8 =	smul.u32 $0x13C000, s4;
	_ =	strace $0x80000047  }
0xb: {  	[dreg:$0x5] =	wrdreg s10;
	s19 =	ssub.s32 $0x2, s4;
	s10 =	sor.u32 $0x1C05, s22  }
0xc: {  	s22 =	simm.s32 $0x2000;
	s12 =	sshrl.u32 s19, $0x1;
	s21 =	sshrl.u32 s11, $0x2  }
0xd: {  	s8 =	sadd.s32 s9, s8;
	s9 =	sor.u32 s4, s18;
	s20 =	ssub.s32 s19, s12  }
0xe: {  	s4 =	smul.u32 $0x2800, s4;
	s17 =	sadd.s32 s21, s3;
	s18 =	simm.s32 $0x5  }
0xf: {  	s19 =	simm.s32 $0x1000;
	s21 =	simm.s32 $0x80;
	s8 =	sshrl.u32 s8, $0x3  }
0x10: {  	s9 =	smul.u32 $0x2800, s9;
	s15 =	smax.u32 s20, $0x1;
	s17 =	sshrl.u32 s17, $0x3  }
0x11: {  	s20 =	simm.s32 $0x3;
	s0 =	sadd.s32 s8, s0;
	s4 =	sadd.s32 s4, s13  }
0x12: {  	s23 =	sshrl.u32 s9, $0x3;
	s26 =	sadd.s32 $0xEE00, s0;
	s0 =	sadd.s32 $0x5DE00, s0  }
0x13: {  	s31 =	sshrl.u32 s4, $0x3;
	s24 =	sadd.s32 s2, s23;
	[dreg:$0x8] =	wrdreg s26  }
0x14: {  	s25 =	sadd.s32 s6, s23;
	[dreg:$0x9] =	wrdreg s0;
	s16 =	sadd.s32 s31, s6  }
0x15: {  	s23 =	simm.s32 $0x4;
	s26 =	simm.s32 $0x6000;
	[dreg:$0x6] =	wrdreg s24  }
0x16: {  	[dreg:$0x7] =	wrdreg s25;
	s24 =	simm.s32 $0x1;
	s25 =	simm.s32 $0x2  }
.LBB2_1:
0x17: {  	[spmem:s17], [sflag:s10] =	dma.local [hbm:s7], $0x2780  }
0x18: {  	_ =	swait.ge [sflag:s18], $0x2780  }
0x19: {  	[sflag:s18] =	ssyncset.done $0x0  }
0x1a: {  	s0 =	rddreg [dreg:$0x6];
	[sflag:s18] =	ssyncadd.s32 $0xFFFFD880  }
0x1b: {  	[tilespmem:s5], [sflag:$0x3] =	stream.linear.gather [hbm4b:s0+s5], $0x800, $0x38;
	[tilespmem:$0x1DC00] =	vst v63  }
0x1c: {  	s31 =	rddreg [dreg:$0x7]  }
0x1d: {  	[tilespmem:s19], [sflag:$0x3] =	stream.linear.gather [hbm4b:s31+s5], $0x800, $0x38;
	[tilespmem:$0x1DC00] =	vst v63  }
0x1e: {  	_ =	swait.ge [sflag:s20], $0x800  }
0x1f: {  	[sflag:s20] =	ssyncset.done $0x0  }
0x20: {  	[sflag:s20] =	ssyncadd.s32 $0xFFFFF800  }
.Ltmp0:
0x21: {  	_ =	swait.ge [sflag:s20], $0x800;
	(pc) =	sbr.rel .LBB2_2-.Ltmp0, $4  }
0x22: {  	[sflag:s20] =	ssyncset.done $0x0  }
0x23: {  	[sflag:s20] =	ssyncadd.s32 $0xFFFFF800  }
0x24: {  	s0 =	simm.s32 $0x0;
	[bflag:$0x0] =	sbarrier.arrive $0xFFFF  }
0x25: {  	[tilespmem:s22], [sflag:$0x1] =	stream.indirect.gather [hbm4b:s1+s21], $0x80, s5, s21, $0xb8;
	[tilespmem:$0x1DC00] =	vst v63  }
.LBB2_18:
0x26: {  	_ =	swait.ge [sflag:s25], $0x4000  }
0x27: {  	s0 =	sshll.u32 s31, $0x7;
	[sflag:s25] =	ssyncset.done $0x0  }
0x28: {  	s0 =	sor.u32 $0x1000, s0;
	[sflag:s25] =	ssyncadd.s32 $0xFFFFC000  }
0x29: {  	[spmem:s3] =	stream.indirect.scatter.add.f32 [tilespmem:s26], [sflag:$0x6], $0x80, s0, s21, $0xb8;
	[tilespmem:$0x1DC00] =	vst v63  }
0x2a: {  	s0 =	simm.s32 $0x6  }
.LBB2_20:
0x2b: {  	p0 =	slt.u32 s8, $0x50  }
.Ltmp1:
0x2c: {  	_ = 	snop;
	(pc) =	sbr.rel @!p0 .LBB2_21-.Ltmp1, $4  }
0x2d: {  	_ = 	snop  }
0x2e: {  	_ =	swait.ge [sflag:s0], $0x4000  }
0x2f: {  	[sflag:s0] =	ssyncset.done $0x0  }
0x30: {  	[sflag:s0] =	ssyncadd.s32 $0xFFFFC000;
	s0 =	smov.u32 s8  }
.LBB2_2:
0x31: {  	s31 =	sand.u32 $0xF, s0  }
0x32: {  	p0 =	seq.s32 s31, $0xF  }
.Ltmp2:
0x33: {  	_ = 	snop;
	(pc) =	sbr.rel @p0 .LBB2_9-.Ltmp2, $2  }
0x34: {  	_ =	sdelay $0x2  }
0x35: {  	s4 =	sand.u32 $0x10, s0  }
0x36: {  	p0 =	sne.s32 s31, $0x0  }
.Ltmp3:
0x37: {  	_ = 	snop;
	(pc) =	sbr.rel @p0 .LBB2_14-.Ltmp3, $1  }
0x38: {  	_ =	sdelay $0x3  }
0x39: {  	s8 =	sshrl.u32 s0, $0x4  }
0x3a: {  	s8 =	sadd.s32 $0x1, s8  }
0x3b: {  	s11 =	sand.u32 $0x1, s8  }
0x3c: {  	p0 =	seq.s32 s11, $0x1  }
.Ltmp4:
0x3d: {  	_ = 	snop;
	(pc) =	sbr.rel @!p0 .LBB2_5-.Ltmp4, $1  }
0x3e: {  	_ =	sdelay $0x3  }
0x3f: {  	p0 =	sgt.u32 s0, $0x3F  }
.Ltmp5:
0x40: {  	_ = 	snop;
	(pc) =	sbr.rel @p0 .LBB2_14-.Ltmp5, $1  }
0x41: {  	_ =	sdelay $0x3  }
0x42: {  	s8 =	sshll.u32 s8, $0xB  }
0x43: {  	s8 =	sadd.s32 s9, s8  }
.Ltmp6:
0x44: {  	s8 =	sshrl.u32 s8, $0x3;
	(pc) =	sbr.rel .LBB2_15-.Ltmp6, $4  }
0x45: {  	s11 =	sadd.s32 s2, s8  }
0x46: {  	[tilespmem:s28], [sflag:$0x4] =	stream.linear.gather [hbm4b:s11+s5], $0x800, $0x38;
	[tilespmem:$0x1DC00] =	vst v63  }
0x47: {  	s8 =	sadd.s32 s6, s8  }
0x48: {  	[tilespmem:s29], [sflag:$0x4] =	stream.linear.gather [hbm4b:s8+s5], $0x800, $0x38;
	[tilespmem:$0x1DC00] =	vst v63  }
.LBB2_9:
0x49: {  	p0 =	seq.s32 s4, $0x0  }
.Ltmp7:
0x4a: {  	_ = 	snop;
	(pc) =	sbr.rel @!p0 .LBB2_10-.Ltmp7, $1  }
0x4b: {  	_ =	sdelay $0x3  }
0x4c: {  	p0 =	sgt.u32 s0, $0x3F  }
.Ltmp8:
0x4d: {  	_ = 	snop;
	(pc) =	sbr.rel @p0 .LBB2_14-.Ltmp8, $1  }
0x4e: {  	_ =	sdelay $0x3  }
0x4f: {  	_ =	swait.ge [sflag:s23], $0x800  }
.Ltmp9:
0x50: {  	[sflag:s23] =	ssyncset.done $0x0;
	(pc) =	sbr.rel .LBB2_15-.Ltmp9, $4  }
0x51: {  	[sflag:s23] =	ssyncadd.s32 $0xFFFFF800  }
0x52: {  	_ =	swait.ge [sflag:s23], $0x800  }
0x53: {  	[sflag:s23] =	ssyncset.done $0x0  }
0x54: {  	[sflag:s23] =	ssyncadd.s32 $0xFFFFF800  }
.LBB2_5:
0x55: {  	p0 =	sgt.u32 s0, $0x3F  }
.Ltmp10:
0x56: {  	_ = 	snop;
	(pc) =	sbr.rel @p0 .LBB2_14-.Ltmp10, $1  }
0x57: {  	_ =	sdelay $0x3  }
0x58: {  	s8 =	sshll.u32 s8, $0xB  }
0x59: {  	s8 =	sadd.s32 s9, s8  }
.Ltmp11:
0x5a: {  	s8 =	sshrl.u32 s8, $0x3;
	(pc) =	sbr.rel .LBB2_15-.Ltmp11, $4  }
0x5b: {  	s11 =	sadd.s32 s2, s8  }
0x5c: {  	[tilespmem:s5], [sflag:$0x3] =	stream.linear.gather [hbm4b:s11+s5], $0x800, $0x38;
	[tilespmem:$0x1DC00] =	vst v63  }
0x5d: {  	s8 =	sadd.s32 s6, s8  }
0x5e: {  	[tilespmem:s19], [sflag:$0x3] =	stream.linear.gather [hbm4b:s8+s5], $0x800, $0x38;
	[tilespmem:$0x1DC00] =	vst v63  }
.LBB2_10:
0x5f: {  	p0 =	sgt.u32 s0, $0x3F  }
.Ltmp12:
0x60: {  	_ = 	snop;
	(pc) =	sbr.rel @p0 .LBB2_14-.Ltmp12, $1  }
0x61: {  	_ =	sdelay $0x3  }
0x62: {  	_ =	swait.ge [sflag:s20], $0x800  }
.Ltmp13:
0x63: {  	[sflag:s20] =	ssyncset.done $0x0;
	(pc) =	sbr.rel .LBB2_15-.Ltmp13, $4  }
0x64: {  	[sflag:s20] =	ssyncadd.s32 $0xFFFFF800  }
0x65: {  	_ =	swait.ge [sflag:s20], $0x800  }
0x66: {  	[sflag:s20] =	ssyncset.done $0x0  }
0x67: {  	[sflag:s20] =	ssyncadd.s32 $0xFFFFF800  }
.LBB2_14:
0x68: {  	p0 =	seq.s32 s0, $0x4F  }
.Ltmp14:
0x69: {  	_ = 	snop;
	(pc) =	sbr.rel @p0 .LBB2_18-.Ltmp14, $2  }
0x6a: {  	_ =	sdelay $0x2  }
0x6b: {  	s8 =	simm.s32 $0x50  }
.LBB2_15:
0x6c: {  	s8 =	sadd.s32 $0x1, s0  }
0x6d: {  	s11 =	sand.u32 $0x10, s8;
	s12 =	sand.u32 $0x1, s8;
	s13 =	sshll.u32 s8, $0x9  }
0x6e: {  	p0 =	sne.s32 s11, $0x0;
	p1 =	seq.s32 s12, $0x1;
	s11 =	sand.u32 $0x1E00, s13  }
0x6f: {  	s12 =	sshrl.u32 @p0 s11, $0x2;
	p2 =	por !p1, !p0  }
0x70: {  	s12 =	sor.u32 @p0 $0x800, s12;
	s13 =	simm.s32 @!p2 $0x80;
	s14 =	simm.s32 @!p2 $0x6000  }
0x71: {  	[tilespmem:s14], [sflag:$0x2] =	stream.indirect.gather @!p2 [hbm4b:s1+s13], $0x80, s12, s13, $0xb8;
	[tilespmem:$0x1DC00] =	vst v63  }
0x72: {  	p2 =	por p1, !p0  }
0x73: {  	s11 =	sshrl.u32 @!p0 s11, $0x2;
	s13 =	simm.s32 @!p2 $0x80;
	s14 =	simm.s32 @!p2 $0x2000  }
0x74: {  	[tilespmem:s14], [sflag:$0x1] =	stream.indirect.gather @!p2 [hbm4b:s1+s13], $0x80, s12, s13, $0xb8;
	[tilespmem:$0x1DC00] =	vst v63  }
0x75: {  	p2 =	por !p1, p0;
	p0 =	por p1, p0;
	p1 =	sne.s32 s4, $0x0  }
.Ltmp15:
0x76: {  	s12 =	simm.s32 @!p2 $0x80;
	s13 =	simm.s32 @!p2 $0x6000;
	(pc) =	sbr.rel @p1 .LBB2_19-.Ltmp15, $4  }
0x77: {  	[tilespmem:s13], [sflag:$0x2] =	stream.indirect.gather @!p2 [hbm4b:s1+s12], $0x80, s11, s12, $0xb8;
	[tilespmem:$0x1DC00] =	vst v63  }
0x78: {  	s14 =	sand.u32 $0x1, s0;
	s12 =	simm.s32 @!p0 $0x80;
	s13 =	simm.s32 @!p0 $0x2000  }
0x79: {  	[tilespmem:s13], [sflag:$0x1] =	stream.indirect.gather @!p0 [hbm4b:s1+s12], $0x80, s11, s12, $0xb8;
	[tilespmem:$0x1DC00] =	vst v63  }
0x7a: {  	p0 =	seq.s32 s14, $0x1  }
.Ltmp16:
0x7b: {  	(pc) =	sbr.rel @p0 .LBB2_18-.Ltmp16, $1  }
0x7c: {  	_ =	sdelay $0x3  }
.Ltmp17:
0x7d: {  	_ =	swait.ge [sflag:s24], $0x4000;
	(pc) =	sbr.rel .LBB2_20-.Ltmp17, $4  }
0x7e: {  	s0 =	sshll.u32 s31, $0x7;
	[sflag:s24] =	ssyncset.done $0x0  }
0x7f: {  	s0 =	sor.u32 $0x1000, s0;
	[sflag:s24] =	ssyncadd.s32 $0xFFFFC000  }
0x80: {  	[spmem:s3] =	stream.indirect.scatter.add.f32 [tilespmem:s22], [sflag:$0x6], $0x80, s0, s21, $0xb8;
	[tilespmem:$0x1DC00] =	vst v63  }
0x81: {  	s0 =	simm.s32 $0x6  }
.LBB2_19:
0x82: {  	s0 =	simm.s32 @p0 $0x2  }
0x83: {  	_ =	swait.ge @p0 [sflag:s0], $0x4000  }
0x84: {  	[sflag:s0] =	ssyncset.done @p0 $0x0  }
0x85: {  	[sflag:s0] =	ssyncadd.s32 @p0 $0xFFFFC000;
	s0 =	sshll.u32 @p0 s31, $0x7  }
0x86: {  	s4 =	simm.s32 @p0 $0x80;
	s11 =	simm.s32 @p0 $0x6000;
	s0 =	sor.u32 @p0 $0x1800, s0  }
0x87: {  	[spmem:s3] =	stream.indirect.scatter.add.f32 @p0 [tilespmem:s11], [sflag:$0x5], $0x80, s0, s4, $0xb8;
	[tilespmem:$0x1DC00] =	vst v63  }
0x88: {  	s0 =	simm.s32 @!p0 $0x1  }
0x89: {  	_ =	swait.ge @!p0 [sflag:s0], $0x4000  }
0x8a: {  	[sflag:s0] =	ssyncset.done @!p0 $0x0  }
.Ltmp18:
0x8b: {  	[sflag:s0] =	ssyncadd.s32 @!p0 $0xFFFFC000;
	s0 =	sshll.u32 @!p0 s31, $0x7;
	(pc) =	sbr.rel .LBB2_20-.Ltmp18, $4  }
0x8c: {  	s4 =	simm.s32 @!p0 $0x80;
	s11 =	simm.s32 @!p0 $0x2000;
	s0 =	sor.u32 @!p0 $0x1800, s0  }
0x8d: {  	[spmem:s3] =	stream.indirect.scatter.add.f32 @!p0 [tilespmem:s11], [sflag:$0x6], $0x80, s0, s4, $0xb8;
	[tilespmem:$0x1DC00] =	vst v63  }
0x8e: {  	s0 =	simm.s32 @!p0 $0x6  }
0x8f: {  	s0 =	simm.s32 @p0 $0x5  }
.LBB2_21:
0x90: {  	[bflag:$0x0] =	sbarrier.arrive $0xFFFF  }
0x91: {  	s0 =	rddreg [dreg:$0x8]  }
0x92: {  	[hbm:s0], [sflag:s10] =	dma.local [spmem:s17], $0x2780  }
0x93: {  	_ =	swait.ge [sflag:s18], $0x2780  }
0x94: {  	[sflag:s18] =	ssyncset.done $0x0  }
0x95: {  	[sflag:s18] =	ssyncadd.s32 $0xFFFFD880  }
0x96: {  	[spmem:s17], [sflag:s10] =	dma.local [hbm:s7], $0x2780  }
0x97: {  	_ =	swait.ge [sflag:s18], $0x2780  }
0x98: {  	[sflag:s18] =	ssyncset.done $0x0  }
0x99: {  	s14 =	simm.s32 $0x0;
	s4 =	rddreg [dreg:$0x5];
	[sflag:s18] =	ssyncadd.s32 $0xFFFFD880  }
0x9a: {  	[tilespmem:s22], [sflag:$0x5] =	stream.linear.gather [hbm4b:s4+s14], $0x4000, $0x38;
	[tilespmem:$0x1DC00] =	vst v63  }
0x9b: {  	s0 =	sand.u32 $0xF, s14;
	_ =	swait.ge [sflag:s18], $0x4000  }
0x9c: {  	p0 =	sne.s32 s0, $0x0;
	[sflag:s18] =	ssyncset.done $0x0  }
0x9d: {  	s8 =	simm.s32 @!p0 $0x1000;
	[sflag:s18] =	ssyncadd.s32 $0xFFFFC000  }
0x9e: {  	s11 =	simm.s32 @!p0 $0x5;
	s4 =	simm.s32 @!p0 $0x0;
	[bflag:$0x0] =	sbarrier.arrive $0xFFFF  }
0x9f: {  	[tilespmem:s8], [sflag:$0x5] =	stream.linear.gather @!p0 [hbm4b:s16+s4], $0x800, $0x38;
	[tilespmem:$0x1DC00] =	vst v63  }
0xa0: {  	s31 =	simm.s32 $0x1;
	s0 =	sshll.u32 s0, $0x7;
	_ =	swait.ge @!p0 [sflag:s11], $0x800  }
0xa1: {  	s0 =	sor.u32 $0x1000, s0;
	s4 =	sand.u32 $0xF, s31;
	[sflag:s11] =	ssyncset.done @!p0 $0x0  }
0xa2: {  	s8 =	simm.s32 $0x2;
	[sflag:s11] =	ssyncadd.s32 @!p0 $0xFFFFF800;
	p0 =	sne.s32 s4, $0x0  }
0xa3: {  	[spmem:s3] =	stream.indirect.scatter.add.f32 [tilespmem:s22], [sflag:$0x5], $0x80, s0, s21, $0xb8;
	[tilespmem:$0x1DC00] =	vst v63  }
0xa4: {  	s4 =	sshll.u32 s4, $0x7;
	s0 =	sadd.s32 $0x10, s16;
	_ =	swait.ge [sflag:s18], $0x4000  }
.LBB2_22:
0xa5: {  	s11 =	simm.s32 @!p0 $0x0;
	s12 =	simm.s32 @!p0 $0x1000  }
0xa6: {  	[sflag:s18] =	ssyncset.done $0x0;
	s13 =	smov.u32 s8;
	s8 =	sadd.s32 $0x1, s8  }
0xa7: {  	s14 =	simm.s32 @!p0 $0x5;
	[sflag:s18] =	ssyncadd.s32 $0xFFFFC000;
	p1 =	sne.s32 s8, $0x50  }
0xa8: {  	[tilespmem:s12], [sflag:$0x5] =	stream.linear.gather @!p0 [hbm4b:s0+s11], $0x800, $0x38;
	[tilespmem:$0x1DC00] =	vst v63  }
.Ltmp19:
0xa9: {  	_ =	swait.ge @!p0 [sflag:s14], $0x800;
	(pc) =	sbr.rel @p1 .LBB2_22-.Ltmp19, $4  }
0xaa: {  	s0 =	sadd.s32 $0x10, s0;
	[sflag:s14] =	ssyncset.done @!p0 $0x0  }
0xab: {  	s4 =	sor.u32 $0x1000, s4;
	s11 =	sand.u32 $0xF, s13;
	[sflag:s14] =	ssyncadd.s32 @!p0 $0xFFFFF800  }
0xac: {  	[spmem:s3] =	stream.indirect.scatter.add.f32 [tilespmem:s22], [sflag:$0x5], $0x80, s4, s21, $0xb8;
	[tilespmem:$0x1DC00] =	vst v63  }
0xad: {  	p0 =	sne.s32 s11, $0x0;
	s4 =	sshll.u32 s11, $0x7;
	_ =	swait.ge [sflag:s18], $0x4000  }
0xae: {  	s8 =	simm.s32 @!p0 $0x0;
	[sflag:s18] =	ssyncset.done $0x0  }
0xaf: {  	s11 =	simm.s32 @!p0 $0x1000;
	s12 =	simm.s32 @!p0 $0x5;
	[sflag:s18] =	ssyncadd.s32 $0xFFFFC000  }
0xb0: {  	[tilespmem:s11], [sflag:$0x5] =	stream.linear.gather @!p0 [hbm4b:s0+s8], $0x800, $0x38;
	[tilespmem:$0x1DC00] =	vst v63  }
0xb1: {  	_ =	swait.ge @!p0 [sflag:s12], $0x800  }
0xb2: {  	[sflag:s12] =	ssyncset.done @!p0 $0x0  }
0xb3: {  	s14 =	sor.u32 $0x1000, s4;
	[sflag:s12] =	ssyncadd.s32 @!p0 $0xFFFFF800  }
0xb4: {  	[spmem:s3] =	stream.indirect.scatter.add.f32 [tilespmem:s22], [sflag:$0x5], $0x80, s14, s21, $0xb8;
	[tilespmem:$0x1DC00] =	vst v63  }
0xb5: {  	_ =	swait.ge [sflag:s18], $0x4000  }
0xb6: {  	[sflag:s18] =	ssyncset.done $0x0  }
0xb7: {  	s30 =	sadd.s32 $0x1, s30;
	[sflag:s18] =	ssyncadd.s32 $0xFFFFC000  }
0xb8: {  	p0 =	sne.s32 s30, s15;
	[bflag:$0x0] =	sbarrier.arrive $0xFFFF  }
.Ltmp20:
0xb9: {  	s31 =	rddreg [dreg:$0x9];
	(pc) =	sbr.rel @p0 .LBB2_1-.Ltmp20, $4  }
0xba: {  	[hbm:s31], [sflag:s10] =	dma.local [spmem:s17], $0x2780  }
0xbb: {  	_ =	swait.ge [sflag:s18], $0x2780  }
0xbc: {  	[sflag:s18] =	ssyncset.done $0x0  }
0xbd: {  	[sflag:s18] =	ssyncadd.s32 $0xFFFFD880  }
0xbe: {  	_ =	sfence.sel $0x180000  }
0xbf: {  	[bflag:$0x0] =	sbarrier.arrive $0xFFFF  }
0xc0: {  	_ =	strace $0x90000047  }
0xc1: {  	s0 =	stileid.u32;
	[bflag:$0x2] =	sbarrier.arrive $0xFFFF  }
0xc2: {  	p0 =	sne.s32 s0, $0x0;
	s0 =	rddreg [dreg:$0x4]  }
0xc3: {  	s0 =	sadd.s32 @!p0 $0x100000, s0  }
0xc4: {  	[sflag:s0] =	ssyncadd.tile.s32 @!p0 $0x1;
	_ =	shalt  }
.Lfunc_end2:
_tile_overlayer_lowered:
.L_overlay_start_2:
0xc5: {  	(tag) =	ssettag $0x2  }
0xc6: {  	s0 =	rddreg [dreg:$0x0];
	s2 =	stileid.u32  }
0xc7: {  	s1 =	rddreg [dreg:$0x1];
	p0 =	sne.s32 s2, $0x0  }
0xc8: {  	s3 =	rddreg [dreg:$0x2];
	[bflag:$0x3] =	sbarrier.arrive $0xFFFF;
	s2 =	simm.s32 @!p0 $0x1C05  }
0xc9: {  	[timem:s3], [sflag:s2] =	dma.local @!p0 [hbm:s0], s1  }
0xca: {  	s0 =	simm.s32 @!p0 $0x5  }
0xcb: {  	_ =	swait.ge @!p0 [sflag:s0], s1  }
0xcc: {  	s1 =	ssub.s32 @!p0 $0x0, s1;
	[sflag:s0] =	ssyncset.done @!p0 $0x0  }
0xcd: {  	[sflag:s0] =	ssyncadd.s32 @!p0 s1  }
0xce: {  	[bflag:$0x3] =	sbarrier.arrive $0xFFFF  }
0xcf: {  	_ =	shalt  }

// kernel: kernel.9.cloned.1.call-start
scs
__scs_entry_jumppad:
0x0: {  	(pc) =	sbr.rel $0x88, $3  }
0x1: {  	(tag) =	ssettag $0x0;
	lr =	simm.s32 $0x1  }
0x2: {  	[smem:$0x3F99] =	sst lr;
	_ =	strace $0xD0000000  }
0x3: {  	_ = 	snop  }
0x4: {  	_ = 	snop  }
0x5: {  	_ = 	snop  }
0x6: {  	_ = 	snop  }
0x7: {  	_ = 	snop  }
__scs_overlays_trampoline_lowered:
0x8: {  	[smem:$0x3FA8] =	sst s0  }
0x9: {  	[smem:$0x3FA9] =	sst s1  }
0xa: {  	[smem:$0x3FAA] =	sst s2  }
0xb: {  	[smem:$0x3FAB] =	sst s3  }
0xc: {  	[smem:$0x3FAC] =	sst s4  }
0xd: {  	[smem:$0x3FAD] =	sst s5  }
0xe: {  	[smem:$0x3FAE] =	sst s6  }
0xf: {  	[smem:$0x3FAF] =	sst s7  }
0x10: {  	[smem:$0x3FB0] =	sst s8  }
0x11: {  	[smem:$0x3FB1] =	sst s9;
	s0 =	simm.s32 @!p0 $0x0  }
0x12: {  	s1 =	sld [smem:$0x3F97];
	s0 =	simm.s32 @p0 $0x1  }
0x13: {  	[smem:$0x3FB2] =	sst s0;
	s0 =	simm.s32 @!p1 $0x0  }
0x14: {  	s2 =	sld [smem:$0x3F96];
	s0 =	simm.s32 @p1 $0x1  }
0x15: {  	[smem:$0x3FB3] =	sst s0;
	s0 =	simm.s32 @!p2 $0x0  }
0x16: {  	s3 =	sld [smem:$0x3FDB];
	s0 =	simm.s32 @p2 $0x1  }
0x17: {  	s4 =	simm.s32 $0x1BF5;
	[smem:$0x3FB5] =	sst s0  }
0x18: {  	s0 =	sld [smem:$0x3F98];
	_ =	swait.ge [sflag:s4], $0x0  }
0x19: {  	s7 =	sld [smem:$0x3F99]  }
0x1a: {  	s8 =	sadd.s32 $0xFFFFE003, lr  }
0x1b: {  	s9 =	sadd.s32 $0xFFFFFEF7, lr;
	s5 =	simm.s32 $0xFFFFFFFF;
	p2 =	slt.u32 s8, $0xFFFFF086  }
0x1c: {  	p1 =	slt.u32 s9, $0xF7A;
	s5 =	simm.s32 @!p2 $0x0  }
0x1d: {  	s5 =	simm.s32 @p1 $0x1;
	p0 =	seq.s32 s7, s2  }
0x1e: {  	s7 =	smul.u32 @!p0 $0xF7A, s2;
	p2 =	seq.s32 @!p0 s5, $0x0  }
0x1f: {  	s9 =	smul.u32 $0xF7A, s1;
	s8 =	simm.s32 @!p0 $0x1BF5;
	p2 =	por !p2, p0  }
0x20: {  	[sflag:s8] =	ssyncset.s32 @!p0 $0xFFFFF086;
	s6 =	sadd.s32 @!p0 s3, s7;
	s7 =	simm.s32 @!p0 $0x108  }
0x21: {  	s3 =	sadd.s32 s3, s9;
	s6 =	sadd.s32 @!p0 $0x88, s6;
	s7 =	simm.s32 @p2 $0x1082  }
0x22: {  	[simem:s7], [sflag:s8] =	dma.local @!p0 [hbm:s6], $0xF7A  }
0x23: {  	s9 =	sor.u32 $0xD0000000, s2;
	s6 =	simm.s32 $0x108;
	_ =	swait.ge @!p0 [sflag:s8], $0x0  }
0x24: {  	s3 =	sadd.s32 $0x88, s3;
	s6 =	simm.s32 @!p1 $0x1082;
	[sflag:s4] =	ssyncset.s32 $0xFFFFF086  }
0x25: {  	[simem:s6], [sflag:s4] =	dma.local [hbm:s3], $0xF7A  }
0x26: {  	[smem:$0x3F99] =	sst s1;
	(tag) =	ssettag s2;
	_ =	strace s9  }
0x27: {  	s1 =	sld [smem:$0x3FA9]  }
0x28: {  	s2 =	sld [smem:$0x3FAA]  }
0x29: {  	s4 =	sld [smem:$0x3FAC]  }
0x2a: {  	p0 =	seq.s32 s5, $0x0;
	s5 =	sld [smem:$0x3FAD]  }
0x2b: {  	s6 =	sld [smem:$0x3FAE]  }
0x2c: {  	s7 =	sld [smem:$0x3FAF]  }
0x2d: {  	s3 =	simm.s32 $0x108;
	s8 =	sld [smem:$0x3FB0]  }
0x2e: {  	s3 =	simm.s32 @!p0 $0x1082;
	s9 =	sld [smem:$0x3FB1]  }
0x2f: {  	lr =	sadd.s32 s0, s3;
	s0 =	sld [smem:$0x3FA8]  }
0x30: {  	s3 =	sld [smem:$0x3FAB]  }
0x31: {  	[smem:$0x3FB4] =	sst s10  }
0x32: {  	s10 =	sld [smem:$0x3FB2];
	_ =	sdelay $0x3  }
0x33: {  	p0 =	seq.s32 s10, $0x1;
	s10 =	sld [smem:$0x3FB4];
	_ =	sdelay $0x3  }
0x34: {  	[smem:$0x3FB4] =	sst s10  }
0x35: {  	s10 =	sld [smem:$0x3FB3];
	_ =	sdelay $0x3  }
0x36: {  	p1 =	seq.s32 s10, $0x1;
	s10 =	sld [smem:$0x3FB4];
	_ =	sdelay $0x3  }
0x37: {  	[smem:$0x3FB4] =	sst s10  }
0x38: {  	s10 =	sld [smem:$0x3FB5]  }
0x39: {  	_ = 	snop;
	(pc) =	sbr.ind lr, $3  }
0x3a: {  	_ = 	snop  }
0x3b: {  	_ = 	snop  }
0x3c: {  	p2 =	seq.s32 s10, $0x1;
	s10 =	sld [smem:$0x3FB4]  }
0x3d: {  	_ =	shalt  }
0x3e: {  	_ =	shalt  }
0x3f: {  	_ =	shalt  }
0x40: {  	_ =	shalt  }
0x41: {  	_ =	shalt  }
0x42: {  	_ =	shalt  }
0x43: {  	_ =	shalt  }
0x44: {  	_ =	shalt  }
0x45: {  	_ =	shalt  }
0x46: {  	_ =	shalt  }
0x47: {  	_ =	shalt  }
0x48: {  	_ =	shalt  }
0x49: {  	_ =	shalt  }
0x4a: {  	_ =	shalt  }
0x4b: {  	_ =	shalt  }
0x4c: {  	_ =	shalt  }
0x4d: {  	_ =	shalt  }
0x4e: {  	_ =	shalt  }
0x4f: {  	_ =	shalt  }
0x50: {  	_ =	shalt  }
0x51: {  	_ =	shalt  }
0x52: {  	_ =	shalt  }
0x53: {  	_ =	shalt  }
0x54: {  	_ =	shalt  }
0x55: {  	_ =	shalt  }
0x56: {  	_ =	shalt  }
0x57: {  	_ =	shalt  }
0x58: {  	_ =	shalt  }
0x59: {  	_ =	shalt  }
0x5a: {  	_ =	shalt  }
0x5b: {  	_ =	shalt  }
0x5c: {  	_ =	shalt  }
0x5d: {  	_ =	shalt  }
0x5e: {  	_ =	shalt  }
0x5f: {  	_ =	shalt  }
0x60: {  	_ =	shalt  }
0x61: {  	_ =	shalt  }
0x62: {  	_ =	shalt  }
0x63: {  	_ =	shalt  }
0x64: {  	_ =	shalt  }
0x65: {  	_ =	shalt  }
0x66: {  	_ =	shalt  }
0x67: {  	_ =	shalt  }
0x68: {  	_ =	shalt  }
0x69: {  	_ =	shalt  }
0x6a: {  	_ =	shalt  }
0x6b: {  	_ =	shalt  }
0x6c: {  	_ =	shalt  }
0x6d: {  	_ =	shalt  }
0x6e: {  	_ =	shalt  }
0x6f: {  	_ =	shalt  }
0x70: {  	_ =	shalt  }
0x71: {  	_ =	shalt  }
0x72: {  	_ =	shalt  }
0x73: {  	_ =	shalt  }
0x74: {  	_ =	shalt  }
0x75: {  	_ =	shalt  }
0x76: {  	_ =	shalt  }
0x77: {  	_ =	shalt  }
0x78: {  	_ =	shalt  }
0x79: {  	_ =	shalt  }
0x7a: {  	_ =	shalt  }
0x7b: {  	_ =	shalt  }
0x7c: {  	_ =	shalt  }
0x7d: {  	_ =	shalt  }
0x7e: {  	_ =	shalt  }
0x7f: {  	_ =	shalt  }
0x80: {  	_ =	shalt  }
0x81: {  	_ =	shalt  }
0x82: {  	_ =	shalt  }
0x83: {  	_ =	shalt  }
0x84: {  	_ =	shalt  }
0x85: {  	_ =	shalt  }
0x86: {  	_ =	shalt  }
0x87: {  	_ =	shalt  }
.Lfunc_end0:
.L_simem_size_0:
called_computation.1_lowered:
.L_overlay_start_0:
0x88: {  	s2 =	sld [smem:$0x3FD9]  }
0x89: {  	s3 =	sld [smem:$0x3FFE];
	_ =	sdelay $0x1  }
0x8a: {  	s1 =	srdreg.scid  }
0x8b: {  	s0 =	sand.u32 $0x1, s1  }
0x8c: {  	s17 =	sshll.u32 s0, $0xA;
	s2 =	sadd.s32 s3, s2  }
0x8d: {  	s2 =	sadd.s32 s2, s17  }
0x8e: {  	[smem:$0x3FC0] =	sst s2  }
0x8f: {  	_ = 	snop  }
0x90: {  	s2 =	sld [smem:$0x3FD0];
	(tm) =	ssettm $0x1  }
0x91: {  	s18 =	sld [smem:$0x3FFB];
	_ =	sdelay $0x3  }
0x92: {  	_ =	strace s18  }
0x93: {  	s3 =	sld [smem:$0x3FFC];
	_ =	sdelay $0x3  }
0x94: {  	_ =	strace s3  }
0x95: {  	s3 =	sld [smem:$0x3FFD];
	_ =	sdelay $0x3  }
0x96: {  	_ =	strace s3  }
0x97: {  	_ =	strace $0x8FFFFFFF  }
0x98: {  	s19 =	sld [smem:$0x3FDB];
	_ =	sdelay $0x1  }
0x99: {  	s4 =	simm.s32 $_scs_section_size  }
0x9a: {  	s5 =	simm.s32 $_size__tile_overlayer_lowered;
	s6 =	simm.s32 $_tile_overlayer_lowered  }
0x9b: {  	s22 =	simm.s32 $0x1BFF;
	s21 =	sshll.u32 s6, $0x1;
	s3 =	sadd.s32 s4, s19  }
0x9c: {  	s7 =	simm.s32 $0x0;
	s20 =	sshll.u32 s5, $0x1;
	s5 =	sadd.s32 s21, s3  }
0x9d: {  	[timem:s7], [sflag:s22] =	dma.local [hbm:s5], s20  }
0x9e: {  	_ =	swait.ge [sflag:s22], s20  }
0x9f: {  	s4 =	ssub.s32 $0x0, s20;
	[sflag:s22] =	ssyncset.done $0x0  }
0xa0: {  	[sflag:s22] =	ssyncadd.s32 s4;
	_ =	sdelay $0x1  }
0xa1: {  	s23 =	simm.s32 $0x1B8B  }
0xa2: {  	_ =	swait.ge [sflag:s23], $0x1  }
0xa3: {  	[sflag:s23] =	ssyncset.done $0x0  }
0xa4: {  	s25 =	simm.s32 $0x1B8E;
	s24 =	sld [smem:$0x3FFE];
	[sflag:s23] =	ssyncadd.s32 $0xFFFFFFFF  }
0xa5: {  	s26 =	simm.s32 $execute0_lowered;
	[smem:$0x3FD2] =	sst s25  }
0xa6: {  	s5 =	sshll.u32 s26, $0x1;
	_ =	strace $0x80000049;
	[dreg:$0x1] =	wrdreg $0xFFFFFFFF  }
0xa7: {  	s28 =	simm.s32 $_size_execute0_lowered;
	s3 =	sadd.s32 s3, s5;
	[dreg:$0x0] =	wrdreg $0x0  }
0xa8: {  	s5 =	sshll.u32 s28, $0x1;
	[dreg:$0x2] =	wrdreg s3  }
0xa9: {  	[dreg:$0x3] =	wrdreg s5  }
0xaa: {  	[dreg:$0x4] =	wrdreg $0xC0  }
0xab: {  	_ =	task [dreg:s7], $0x5FFFF  }
0xac: {  	[dreg:$0x1] =	wrdreg $0xFFFFFFFF  }
0xad: {  	[dreg:$0x0] =	wrdreg $0x60  }
0xae: {  	[dreg:$0x2] =	wrdreg s24  }
0xaf: {  	[dreg:$0x3] =	wrdreg s2  }
0xb0: {  	[dreg:$0x4] =	wrdreg $0xA0000  }
0xb1: {  	[dreg:$0x5] =	wrdreg $0x9  }
0xb2: {  	_ =	task.clear_ibuf [dreg:s7], $0x6FFFF;
	_ =	strace $0x90000049  }
0xb3: {  	s29 =	simm.s32 $0x9;
	_ =	strace $0x8000004B  }
0xb4: {  	_ =	swait.ge [sflag:s29], $0x1  }
0xb5: {  	[sflag:s29] =	ssyncadd.s32 $0xFFFFFFFF  }
0xb6: {  	_ =	strace $0x9000004B  }
0xb7: {  	_ =	sfence  }
0xb8: {  	s30 =	sld [smem:$0x0];
	_ =	sdelay $0x2  }
0xb9: {  	s31 =	sshll.u32 s1, $0xD;
	s1 =	sshrl.u32 s1, $0x2  }
0xba: {  	s3 =	sand.u32 $0x4000, s31;
	s1 =	sadd.s32 s1, s30  }
0xbb: {  	s0 =	sor.u32 s3, s0;
	s1 =	sshll.u32 s1, $0x11  }
0xbc: {  	s0 =	sor.u32 s1, s0  }
0xbd: {  	s0 =	sadd.s32 $0x8F2B, s0  }
0xbe: {  	[sflag:s0] =	ssyncadd.remote.s32 $0x1  }
0xbf: {  	_ =	sfence.sel $0xFFFF  }
0xc0: {  	[dreg:$0x0] =	wrdreg $0xFFFFFFFF;
	(pc) =	sbr.abs _section_cstart, $3  }
0xc1: {  	[dreg:$0x1] =	wrdreg $0xFFFFFFFF  }
0xc2: {  	_ =	task.clear_ibuf [dreg:s7], $0x2FFFF;
	_ =	strace $0x9FFFFFFF  }
0xc3: {  	(tm) =	ssettm $0x7FFFFFFF  }
tec
execute0_lowered:
.L_overlay_start_1:
0x0: {  	(tag) =	ssettag $0x1  }
0x1: {  	s9 =	rddreg [dreg:$0x0]  }
0x2: {  	s1 =	rddreg [dreg:$0x1]  }
0x3: {  	s2 =	rddreg [dreg:$0x2];
	s3 =	srdreg.scid  }
0x4: {  	s4 =	simm.s32 $0x0;
	s0 =	stileid.u32;
	s16 =	simm.s32 $0x1000  }
0x5: {  	s17 =	simm.s32 $0x3;
	s18 =	simm.s32 $0x80;
	s19 =	simm.s32 $0x2000  }
0x6: {  	s20 =	simm.s32 $0x4;
	s21 =	simm.s32 $0x1;
	s22 =	simm.s32 $0x2  }
0x7: {  	s23 =	simm.s32 $0x6000;
	s8 =	sand.u32 $0x1, s3;
	[smem:$0x7FF] =	sst s4  }
0x8: {  	s11 =	smul.u32 $0x13C00, s0;
	s5 =	sadd.s32 $0xEE00, s9;
	s6 =	sadd.s32 $0x1E00, s9  }
0x9: {  	s24 =	sadd.s32 $0xC600, s9;
	s25 =	sshll.u32 s0, $0x1;
	s26 =	smul.u32 $0x4F000, s0  }
0xa: {  	s29 =	sshll.u32 s0, $0x6;
	s10 =	smul.u32 $0x13C000, s8;
	_ =	strace $0x8000004A  }
0xb: {  	[dreg:$0x4] =	wrdreg s24;
	s12 =	ssub.s32 $0x2, s8;
	s8 =	sor.u32 s8, s25  }
0xc: {  	s24 =	simm.s32 $0x800;
	s25 =	simm.s32 $0x1800;
	s13 =	sshrl.u32 s12, $0x1  }
0xd: {  	s8 =	smul.u32 $0x2800, s8;
	s28 =	sshrl.u32 s26, $0x2;
	s26 =	simm.s32 $0x0  }
.Ltmp0:
0xe: {  	s10 =	sadd.s32 s11, s10;
	s13 =	ssub.s32 s12, s13;
	(pc) =	sbr.rel .LBB2_1-.Ltmp0, $4  }
0xf: {  	s15 =	sadd.s32 s28, s2;
	s10 =	sshrl.u32 s10, $0x3;
	s30 =	sshrl.u32 s8, $0x3  }
0x10: {  	s13 =	smax.u32 s13, $0x1;
	s14 =	sadd.s32 s10, s9;
	s31 =	sadd.s32 s1, s30  }
0x11: {  	s9 =	sor.u32 $0x1C05, s29;
	s11 =	sadd.s32 s6, s30;
	[dreg:$0x5] =	wrdreg s31  }
0x12: {  	s12 =	sadd.s32 $0xACE00, s14;
	s14 =	sshrl.u32 s15, $0x3;
	s15 =	simm.s32 $0x5  }
.LBB2_21:
0x13: {  	s26 =	sadd.s32 $0x1, s26  }
0x14: {  	p0 =	sne.s32 s26, s13  }
.Ltmp1:
0x15: {  	[bflag:$0x0] =	sbarrier.arrive $0xFFFF;
	(pc) =	sbr.rel @!p0 .LBB2_22-.Ltmp1, $4  }
0x16: {  	[hbm:s12], [sflag:s9] =	dma.local [spmem:s14], $0x2780  }
0x17: {  	_ =	swait.ge [sflag:s15], $0x2780  }
0x18: {  	[sflag:s15] =	ssyncset.done $0x0  }
0x19: {  	[sflag:s15] =	ssyncadd.s32 $0xFFFFD880  }
.LBB2_1:
0x1a: {  	s0 =	rddreg [dreg:$0x4]  }
0x1b: {  	[spmem:s14], [sflag:s9] =	dma.local [hbm:s0], $0x2780  }
0x1c: {  	_ =	swait.ge [sflag:s15], $0x2780  }
0x1d: {  	[sflag:s15] =	ssyncset.done $0x0  }
0x1e: {  	s31 =	rddreg [dreg:$0x5];
	[sflag:s15] =	ssyncadd.s32 $0xFFFFD880  }
0x1f: {  	[tilespmem:s4], [sflag:$0x3] =	stream.linear.gather [hbm4b:s31+s4], $0x800, $0x38;
	[tilespmem:$0x1DC00] =	vst v63  }
0x20: {  	_ = 	snop  }
0x21: {  	[tilespmem:s16], [sflag:$0x3] =	stream.linear.gather [hbm4b:s11+s4], $0x800, $0x38;
	[tilespmem:$0x1DC00] =	vst v63  }
0x22: {  	_ =	swait.ge [sflag:s17], $0x800  }
0x23: {  	[sflag:s17] =	ssyncset.done $0x0  }
0x24: {  	[sflag:s17] =	ssyncadd.s32 $0xFFFFF800  }
.Ltmp2:
0x25: {  	_ =	swait.ge [sflag:s17], $0x800;
	(pc) =	sbr.rel .LBB2_2-.Ltmp2, $4  }
0x26: {  	[sflag:s17] =	ssyncset.done $0x0  }
0x27: {  	[sflag:s17] =	ssyncadd.s32 $0xFFFFF800  }
0x28: {  	s29 =	simm.s32 $0x0;
	[bflag:$0x0] =	sbarrier.arrive $0xFFFF  }
0x29: {  	[tilespmem:s19], [sflag:$0x1] =	stream.indirect.gather [hbm4b:s5+s18], $0x80, s4, s18, $0xb8;
	[tilespmem:$0x1DC00] =	vst v63  }
.LBB2_18:
0x2a: {  	_ =	swait.ge [sflag:s22], $0x4000  }
0x2b: {  	s0 =	sshll.u32 s28, $0x7;
	[sflag:s22] =	ssyncset.done $0x0  }
0x2c: {  	s28 =	simm.s32 $0x6;
	s0 =	sor.u32 $0x1000, s0;
	[sflag:s22] =	ssyncadd.s32 $0xFFFFC000  }
0x2d: {  	[spmem:s2] =	stream.indirect.scatter.add.f32 [tilespmem:s23], [sflag:$0x6], $0x80, s0, s18, $0xb8;
	[tilespmem:$0x1DC00] =	vst v63  }
.LBB2_20:
0x2e: {  	p0 =	slt.u32 s31, $0x50  }
.Ltmp3:
0x2f: {  	_ = 	snop;
	(pc) =	sbr.rel @!p0 .LBB2_21-.Ltmp3, $4  }
0x30: {  	_ = 	snop  }
0x31: {  	_ =	swait.ge [sflag:s28], $0x4000  }
0x32: {  	[sflag:s28] =	ssyncset.done $0x0  }
0x33: {  	s29 =	smov.u32 s31;
	[sflag:s28] =	ssyncadd.s32 $0xFFFFC000  }
.LBB2_2:
0x34: {  	s28 =	sand.u32 $0xF, s29  }
0x35: {  	p0 =	seq.s32 s28, $0xF  }
.Ltmp4:
0x36: {  	_ = 	snop;
	(pc) =	sbr.rel @p0 .LBB2_9-.Ltmp4, $2  }
0x37: {  	_ =	sdelay $0x2  }
0x38: {  	s30 =	sand.u32 $0x10, s29  }
0x39: {  	p0 =	sne.s32 s28, $0x0  }
.Ltmp5:
0x3a: {  	_ = 	snop;
	(pc) =	sbr.rel @p0 .LBB2_14-.Ltmp5, $1  }
0x3b: {  	_ =	sdelay $0x3  }
0x3c: {  	s31 =	sshrl.u32 s29, $0x4  }
0x3d: {  	s31 =	sadd.s32 $0x1, s31  }
0x3e: {  	s0 =	sand.u32 $0x1, s31  }
0x3f: {  	p0 =	seq.s32 s0, $0x1  }
.Ltmp6:
0x40: {  	_ = 	snop;
	(pc) =	sbr.rel @!p0 .LBB2_5-.Ltmp6, $1  }
0x41: {  	_ =	sdelay $0x3  }
0x42: {  	p0 =	sgt.u32 s29, $0x3F  }
.Ltmp7:
0x43: {  	_ = 	snop;
	(pc) =	sbr.rel @p0 .LBB2_14-.Ltmp7, $1  }
0x44: {  	_ =	sdelay $0x3  }
0x45: {  	s0 =	sshll.u32 s31, $0xB  }
0x46: {  	s0 =	sadd.s32 s8, s0  }
.Ltmp8:
0x47: {  	s0 =	sshrl.u32 s0, $0x3;
	(pc) =	sbr.rel .LBB2_15-.Ltmp8, $4  }
0x48: {  	s10 =	sadd.s32 s1, s0  }
0x49: {  	[tilespmem:s24], [sflag:$0x4] =	stream.linear.gather [hbm4b:s10+s4], $0x800, $0x38;
	[tilespmem:$0x1DC00] =	vst v63  }
0x4a: {  	s0 =	sadd.s32 s6, s0  }
0x4b: {  	[tilespmem:s25], [sflag:$0x4] =	stream.linear.gather [hbm4b:s0+s4], $0x800, $0x38;
	[tilespmem:$0x1DC00] =	vst v63  }
.LBB2_9:
0x4c: {  	p0 =	seq.s32 s30, $0x0  }
.Ltmp9:
0x4d: {  	_ = 	snop;
	(pc) =	sbr.rel @!p0 .LBB2_10-.Ltmp9, $1  }
0x4e: {  	_ =	sdelay $0x3  }
0x4f: {  	p0 =	sgt.u32 s29, $0x3F  }
.Ltmp10:
0x50: {  	_ = 	snop;
	(pc) =	sbr.rel @p0 .LBB2_14-.Ltmp10, $1  }
0x51: {  	_ =	sdelay $0x3  }
0x52: {  	_ =	swait.ge [sflag:s20], $0x800  }
.Ltmp11:
0x53: {  	[sflag:s20] =	ssyncset.done $0x0;
	(pc) =	sbr.rel .LBB2_15-.Ltmp11, $4  }
0x54: {  	[sflag:s20] =	ssyncadd.s32 $0xFFFFF800  }
0x55: {  	_ =	swait.ge [sflag:s20], $0x800  }
0x56: {  	[sflag:s20] =	ssyncset.done $0x0  }
0x57: {  	[sflag:s20] =	ssyncadd.s32 $0xFFFFF800  }
.LBB2_5:
0x58: {  	p0 =	sgt.u32 s29, $0x3F  }
.Ltmp12:
0x59: {  	_ = 	snop;
	(pc) =	sbr.rel @p0 .LBB2_14-.Ltmp12, $1  }
0x5a: {  	_ =	sdelay $0x3  }
0x5b: {  	s0 =	sshll.u32 s31, $0xB  }
0x5c: {  	s0 =	sadd.s32 s8, s0  }
.Ltmp13:
0x5d: {  	s0 =	sshrl.u32 s0, $0x3;
	(pc) =	sbr.rel .LBB2_15-.Ltmp13, $4  }
0x5e: {  	s10 =	sadd.s32 s1, s0  }
0x5f: {  	[tilespmem:s4], [sflag:$0x3] =	stream.linear.gather [hbm4b:s10+s4], $0x800, $0x38;
	[tilespmem:$0x1DC00] =	vst v63  }
0x60: {  	s0 =	sadd.s32 s6, s0  }
0x61: {  	[tilespmem:s16], [sflag:$0x3] =	stream.linear.gather [hbm4b:s0+s4], $0x800, $0x38;
	[tilespmem:$0x1DC00] =	vst v63  }
.LBB2_10:
0x62: {  	p0 =	sgt.u32 s29, $0x3F  }
.Ltmp14:
0x63: {  	_ = 	snop;
	(pc) =	sbr.rel @p0 .LBB2_14-.Ltmp14, $1  }
0x64: {  	_ =	sdelay $0x3  }
0x65: {  	_ =	swait.ge [sflag:s17], $0x800  }
.Ltmp15:
0x66: {  	[sflag:s17] =	ssyncset.done $0x0;
	(pc) =	sbr.rel .LBB2_15-.Ltmp15, $4  }
0x67: {  	[sflag:s17] =	ssyncadd.s32 $0xFFFFF800  }
0x68: {  	_ =	swait.ge [sflag:s17], $0x800  }
0x69: {  	[sflag:s17] =	ssyncset.done $0x0  }
0x6a: {  	[sflag:s17] =	ssyncadd.s32 $0xFFFFF800  }
.LBB2_14:
0x6b: {  	p0 =	seq.s32 s29, $0x4F  }
.Ltmp16:
0x6c: {  	_ = 	snop;
	(pc) =	sbr.rel @p0 .LBB2_18-.Ltmp16, $2  }
0x6d: {  	_ =	sdelay $0x2  }
0x6e: {  	s31 =	simm.s32 $0x50  }
.LBB2_15:
0x6f: {  	s31 =	sadd.s32 $0x1, s29  }
0x70: {  	s0 =	sand.u32 $0x10, s31;
	s3 =	sand.u32 $0x1, s31;
	s7 =	sshll.u32 s31, $0x9  }
0x71: {  	p0 =	sne.s32 s0, $0x0;
	p1 =	seq.s32 s3, $0x1;
	s0 =	sand.u32 $0x1E00, s7  }
0x72: {  	s3 =	sshrl.u32 @p0 s0, $0x2;
	p2 =	por !p1, !p0  }
0x73: {  	s3 =	sor.u32 @p0 $0x800, s3;
	s7 =	simm.s32 @!p2 $0x80;
	s10 =	simm.s32 @!p2 $0x6000  }
0x74: {  	[tilespmem:s10], [sflag:$0x2] =	stream.indirect.gather @!p2 [hbm4b:s5+s7], $0x80, s3, s7, $0xb8;
	[tilespmem:$0x1DC00] =	vst v63  }
0x75: {  	p2 =	por p1, !p0  }
0x76: {  	s0 =	sshrl.u32 @!p0 s0, $0x2;
	s7 =	simm.s32 @!p2 $0x80;
	s10 =	simm.s32 @!p2 $0x2000  }
0x77: {  	[tilespmem:s10], [sflag:$0x1] =	stream.indirect.gather @!p2 [hbm4b:s5+s7], $0x80, s3, s7, $0xb8;
	[tilespmem:$0x1DC00] =	vst v63  }
0x78: {  	p2 =	por !p1, p0;
	p0 =	por p1, p0;
	p1 =	sne.s32 s30, $0x0  }
.Ltmp17:
0x79: {  	s3 =	simm.s32 @!p2 $0x80;
	s7 =	simm.s32 @!p2 $0x6000;
	(pc) =	sbr.rel @p1 .LBB2_19-.Ltmp17, $4  }
0x7a: {  	[tilespmem:s7], [sflag:$0x2] =	stream.indirect.gather @!p2 [hbm4b:s5+s3], $0x80, s0, s3, $0xb8;
	[tilespmem:$0x1DC00] =	vst v63  }
0x7b: {  	s30 =	sand.u32 $0x1, s29;
	s3 =	simm.s32 @!p0 $0x80;
	s7 =	simm.s32 @!p0 $0x2000  }
0x7c: {  	[tilespmem:s7], [sflag:$0x1] =	stream.indirect.gather @!p0 [hbm4b:s5+s3], $0x80, s0, s3, $0xb8;
	[tilespmem:$0x1DC00] =	vst v63  }
0x7d: {  	p0 =	seq.s32 s30, $0x1  }
.Ltmp18:
0x7e: {  	(pc) =	sbr.rel @p0 .LBB2_18-.Ltmp18, $1  }
0x7f: {  	_ =	sdelay $0x3  }
.Ltmp19:
0x80: {  	(pc) =	sbr.rel .LBB2_20-.Ltmp19, $4  }
0x81: {  	_ =	swait.ge [sflag:s21], $0x4000  }
0x82: {  	s0 =	sshll.u32 s28, $0x7;
	[sflag:s21] =	ssyncset.done $0x0  }
0x83: {  	s28 =	simm.s32 $0x6;
	s0 =	sor.u32 $0x1000, s0;
	[sflag:s21] =	ssyncadd.s32 $0xFFFFC000  }
0x84: {  	[spmem:s2] =	stream.indirect.scatter.add.f32 [tilespmem:s19], [sflag:$0x6], $0x80, s0, s18, $0xb8;
	[tilespmem:$0x1DC00] =	vst v63  }
.LBB2_19:
0x85: {  	s0 =	simm.s32 @p0 $0x2  }
0x86: {  	_ =	swait.ge @p0 [sflag:s0], $0x4000  }
0x87: {  	[sflag:s0] =	ssyncset.done @p0 $0x0  }
0x88: {  	[sflag:s0] =	ssyncadd.s32 @p0 $0xFFFFC000;
	s0 =	sshll.u32 @p0 s28, $0x7  }
0x89: {  	s3 =	simm.s32 @p0 $0x80;
	s7 =	simm.s32 @p0 $0x6000;
	s0 =	sor.u32 @p0 $0x1800, s0  }
0x8a: {  	[spmem:s2] =	stream.indirect.scatter.add.f32 @p0 [tilespmem:s7], [sflag:$0x5], $0x80, s0, s3, $0xb8;
	[tilespmem:$0x1DC00] =	vst v63  }
0x8b: {  	s0 =	simm.s32 @!p0 $0x1  }
.Ltmp20:
0x8c: {  	_ =	swait.ge @!p0 [sflag:s0], $0x4000;
	(pc) =	sbr.rel .LBB2_20-.Ltmp20, $4  }
0x8d: {  	s3 =	simm.s32 @!p0 $0x80;
	[sflag:s0] =	ssyncset.done @!p0 $0x0  }
0x8e: {  	[sflag:s0] =	ssyncadd.s32 @!p0 $0xFFFFC000;
	s0 =	sshll.u32 @!p0 s28, $0x7;
	s28 =	simm.s32 @!p0 $0x6  }
0x8f: {  	s7 =	simm.s32 @!p0 $0x2000;
	s0 =	sor.u32 @!p0 $0x1800, s0;
	s28 =	simm.s32 @p0 $0x5  }
0x90: {  	[spmem:s2] =	stream.indirect.scatter.add.f32 @!p0 [tilespmem:s7], [sflag:$0x6], $0x80, s0, s3, $0xb8;
	[tilespmem:$0x1DC00] =	vst v63  }
.LBB2_22:
0x91: {  	_ =	sfence.sel $0x180000  }
0x92: {  	[bflag:$0x0] =	sbarrier.arrive $0xFFFF  }
0x93: {  	_ =	strace $0x9000004A  }
0x94: {  	s0 =	stileid.u32;
	[bflag:$0x2] =	sbarrier.arrive $0xFFFF  }
0x95: {  	p0 =	sne.s32 s0, $0x0;
	s0 =	rddreg [dreg:$0x3]  }
0x96: {  	s0 =	sadd.s32 @!p0 $0x100000, s0  }
0x97: {  	[sflag:s0] =	ssyncadd.tile.s32 @!p0 $0x1;
	_ =	shalt  }
.Lfunc_end2:
_tile_overlayer_lowered:
.L_overlay_start_2:
0x98: {  	(tag) =	ssettag $0x2  }
0x99: {  	s0 =	rddreg [dreg:$0x0];
	s2 =	stileid.u32  }
0x9a: {  	s1 =	rddreg [dreg:$0x1];
	p0 =	sne.s32 s2, $0x0  }
0x9b: {  	s3 =	rddreg [dreg:$0x2];
	[bflag:$0x3] =	sbarrier.arrive $0xFFFF;
	s2 =	simm.s32 @!p0 $0x1C05  }
0x9c: {  	[timem:s3], [sflag:s2] =	dma.local @!p0 [hbm:s0], s1  }
0x9d: {  	s0 =	simm.s32 @!p0 $0x5  }
0x9e: {  	_ =	swait.ge @!p0 [sflag:s0], s1  }
0x9f: {  	s1 =	ssub.s32 @!p0 $0x0, s1;
	[sflag:s0] =	ssyncset.done @!p0 $0x0  }
0xa0: {  	[sflag:s0] =	ssyncadd.s32 @!p0 s1  }
0xa1: {  	[bflag:$0x3] =	sbarrier.arrive $0xFFFF  }
0xa2: {  	_ =	shalt  }

</sc_bundles>
